<compile_context>
chip_gen: v7x
topology: tpu7x:2x2x1
jax: 0.10.2.dev20260603
libtpu: 0.0.44.dev20260713+nightly
codegen_flags: <defaults>
</compile_context>

<pallas_src>
import functools

import jax
import jax.numpy as jnp
from jax import lax
from jax.experimental import pallas as pl
from jax.experimental.pallas import tpu as pltpu
from jax.experimental.pallas import tpu_sc as plsc

BATCH = 16384
N_FIELDS = 26
EMBEDDING_DIM = 64

_B = BATCH * N_FIELDS
_NC = 2
_NS = 16
_NW = _NC * _NS
_B_PER_W = _B // _NW
_CHUNK = 128
_N_CHUNKS = _B_PER_W // _CHUNK
_NBUF = 8
_NGROUPS = _N_CHUNKS // _NBUF

_mesh = plsc.VectorSubcoreMesh(core_axis_name="c", subcore_axis_name="s")


@functools.partial(
    pl.kernel,
    mesh=_mesh,
    out_type=jax.ShapeDtypeStruct((_B, EMBEDDING_DIM), jnp.float32),
    scratch_types=[
        pltpu.VMEM((_B_PER_W,), jnp.int32),
        pltpu.VMEM((_NBUF, _CHUNK, EMBEDDING_DIM), jnp.float32),
        pltpu.SemaphoreType.DMA((_NBUF,)),
        pltpu.SemaphoreType.DMA((_NBUF,)),
    ],
    compiler_params=pltpu.CompilerParams(use_tc_tiling_on_sc=False),
)
def _sc_gather(idx_hbm, table_hbm, out_hbm, idx_v, rows_v, gsems, ssems):
    wid = lax.axis_index("s") * _NC + lax.axis_index("c")
    base = wid * _B_PER_W
    pltpu.sync_copy(idx_hbm.at[pl.ds(base, _B_PER_W)], idx_v)

    def start_gather(chunk, b):
        pltpu.async_copy(
            table_hbm.at[idx_v.at[pl.ds(chunk * _CHUNK, _CHUNK)]],
            rows_v.at[b],
            gsems.at[b],
        )

    def wait_gather(b):
        pltpu.make_async_copy(
            table_hbm.at[idx_v.at[pl.ds(0, _CHUNK)]], rows_v.at[b], gsems.at[b]
        ).wait()

    def start_store(chunk, b):
        pltpu.async_copy(
            rows_v.at[b], out_hbm.at[pl.ds(base + chunk * _CHUNK, _CHUNK)],
            ssems.at[b],
        )

    def wait_store(b):
        pltpu.make_async_copy(
            rows_v.at[b], out_hbm.at[pl.ds(base, _CHUNK)], ssems.at[b]
        ).wait()

    for b in range(_NBUF):
        start_gather(b, b)

    def group_body(g, carry):
        for b in range(_NBUF):
            wait_gather(b)
            start_store(g * _NBUF + b, b)
        for b in range(_NBUF):

            @pl.when(g + 1 < _NGROUPS)
            def _():
                wait_store(b)
                start_gather((g + 1) * _NBUF + b, b)

        return carry

    lax.fori_loop(0, _NGROUPS, group_body, 0)

    for b in range(_NBUF):
        wait_store(b)


def kernel(token_ids, weight):
    idx_flat = jnp.reshape(token_ids, (_B,)).astype(jnp.int32)
    out = _sc_gather(idx_flat, weight)
    return jnp.reshape(out, (BATCH, N_FIELDS, EMBEDDING_DIM))

# --- scband reference (transcript-rebuilt; emitter-appended) ---
"""Pipeline reference for scband-embedding-60086592471556 (READ-ONLY COPY).

The authoritative reference and input builder live on the scoring server;
editing this copy changes nothing except your own understanding.
"""

import jax, jax.numpy as jnp
import numpy as np

NUM_EMBEDDINGS = 1000000
EMBEDDING_DIM = 64
BATCH = 16384
N_FIELDS = 26

def setup_inputs(seed: int = 0) -> dict:
    key = jax.random.key(seed)
    k_idx, k_w = jax.random.split(key)
    token_ids = jax.random.randint(k_idx, (BATCH, N_FIELDS), 0, NUM_EMBEDDINGS, dtype=jnp.int64 if jax.config.jax_enable_x64 else jnp.int32)
    # trunc_normal_(weight, 0.0, std=1.0, a=-3, b=3)
    weight = jax.random.truncated_normal(k_w, -3.0, 3.0, (NUM_EMBEDDINGS, EMBEDDING_DIM), dtype=jnp.float32)
    return {"token_ids": token_ids, "weight": weight}

def reference(token_ids, weight):
    # Faithful translation of: return self.weight[token_ids]
    return jnp.take(weight, token_ids, axis=0)

if __name__ == "__main__":
    import jax
    _d = setup_inputs()
    print(jax.jit(kernel)(*tuple(_d.values())))

</pallas_src>

<mosaic_0001>
#map = affine_map<(d0, d1) -> (0)>
#map1 = affine_map<(d0, d1) -> (0, 0)>
module attributes {stable_mosaic.version = 14 : i64} {
  func.func @_sc_gather(%arg0: i32, %arg1: i32, %arg2: memref<425984xi32, #tpu.memory_space<hbm>>, %arg3: memref<1000000x64xf32, #tpu.memory_space<hbm>>, %arg4: memref<425984x64xf32, #tpu.memory_space<hbm>>, %arg5: memref<13312xi32, #tpu.memory_space<vmem>>, %arg6: memref<8x128x64xf32, #tpu.memory_space<vmem>>, %arg7: memref<8x!tpu.dma_semaphore, #tpu.memory_space<semaphore_mem>>, %arg8: memref<8x!tpu.dma_semaphore, #tpu.memory_space<semaphore_mem>>) attributes {dimension_semantics = [#tpu.dimension_semantics<core_parallel>, #tpu.dimension_semantics<subcore_parallel>], iteration_bounds = array<i64: 2, 16>, scalar_prefetch = 0 : i64, scratch_operands = 4 : i64, tpu.core_type = #tpu.core_type<sc_vector_subcore>, window_params = [{transform_indices = #map}, {transform_indices = #map1}, {transform_indices = #map1}]} {
    %mul3A = arith.constant 2 : i32
    %mul3A_0 = arith.muli %arg1, %mul3A : i32
    %add3A = arith.addi %mul3A_0, %arg0 : i32
    %mul3A_1 = arith.constant 13312 : i32
    %mul3A_2 = arith.muli %add3A, %mul3A_1 : i32
    "tpu.region"() ({
      %run_scoped3A = tpu.sem_alloc : memref<!tpu.dma_semaphore, #tpu.memory_space<semaphore_mem>>
      %dma_start3A_238 = tpu.memref_slice %arg2[%mul3A_2] : memref<425984xi32, #tpu.memory_space<hbm>> -> memref<13312xi32, #tpu.memory_space<hbm>>
      %dma_start3A_239 = tpu.memref_slice %arg2[%mul3A_2] : memref<425984xi32, #tpu.memory_space<hbm>> -> memref<13312xi32, #tpu.memory_space<hbm>>
      tpu.enqueue_dma source(%dma_start3A_239 : memref<13312xi32, #tpu.memory_space<hbm>>) target(%arg5 : memref<13312xi32, #tpu.memory_space<vmem>>) target_semaphore(%run_scoped3A : memref<!tpu.dma_semaphore, #tpu.memory_space<semaphore_mem>>)
      %dma_wait3A_240 = tpu.memref_slice %arg2[%mul3A_2] : memref<425984xi32, #tpu.memory_space<hbm>> -> memref<13312xi32, #tpu.memory_space<hbm>>
      %dma_wait3A_241 = tpu.memref_slice %arg2[%mul3A_2] : memref<425984xi32, #tpu.memory_space<hbm>> -> memref<13312xi32, #tpu.memory_space<hbm>>
      tpu.wait_dma2 semaphore(%run_scoped3A : memref<!tpu.dma_semaphore, #tpu.memory_space<semaphore_mem>>) src(%dma_wait3A_241 : memref<13312xi32, #tpu.memory_space<hbm>>) dst(%arg5 : memref<13312xi32, #tpu.memory_space<vmem>>)
      tpu.yield
    }) : () -> ()
    %dma_start3A = arith.constant 0 : i32
    %dma_start3A_3 = arith.constant 0 : i32
    %dma_start3A_4 = arith.constant 0 : i32
    %dma_start3A_5 = arith.constant 0 : i32
    %dma_start3A_6 = tpu.memref_slice %arg6[%dma_start3A, %dma_start3A_4, %dma_start3A_5] : memref<8x128x64xf32, #tpu.memory_space<vmem>> -> memref<1x128x64xf32, #tpu.memory_space<vmem>>
    %dma_start3A_7 = tpu.memref_squeeze %dma_start3A_6 : memref<1x128x64xf32, #tpu.memory_space<vmem>> -> memref<128x64xf32, #tpu.memory_space<vmem>>
    %dma_start3A_8 = arith.constant 0 : i32
    %dma_start3A_9 = tpu.memref_slice %arg5[%dma_start3A_8] : memref<13312xi32, #tpu.memory_space<vmem>> -> memref<128xi32, #tpu.memory_space<vmem>>
    %dma_start3A_10 = arith.constant 0 : i32
    %dma_start3A_11 = arith.constant 0 : i32
    %dma_start3A_12 = tpu.memref_slice %arg3[%dma_start3A_10, %dma_start3A_11] : memref<1000000x64xf32, #tpu.memory_space<hbm>> -> memref<1000000x64xf32, #tpu.memory_space<hbm>>
    %dma_start3A_13 = tpu.memref_slice %arg7[%dma_start3A_3] : memref<8x!tpu.dma_semaphore, #tpu.memory_space<semaphore_mem>> -> memref<1x!tpu.dma_semaphore, #tpu.memory_space<semaphore_mem>>
    %dma_start3A_14 = tpu.memref_squeeze %dma_start3A_13 : memref<1x!tpu.dma_semaphore, #tpu.memory_space<semaphore_mem>> -> memref<!tpu.dma_semaphore, #tpu.memory_space<semaphore_mem>>
    tpu.enqueue_indirect_dma source(%dma_start3A_12 : memref<1000000x64xf32, #tpu.memory_space<hbm>>) target(%dma_start3A_7 : memref<128x64xf32, #tpu.memory_space<vmem>>) offsets(%dma_start3A_9 : memref<128xi32, #tpu.memory_space<vmem>>) semaphore(%dma_start3A_14 : memref<!tpu.dma_semaphore, #tpu.memory_space<semaphore_mem>>)
    %dma_start3A_15 = arith.constant 1 : i32
    %dma_start3A_16 = arith.constant 1 : i32
    %dma_start3A_17 = arith.constant 0 : i32
    %dma_start3A_18 = arith.constant 0 : i32
    %dma_start3A_19 = tpu.memref_slice %arg6[%dma_start3A_15, %dma_start3A_17, %dma_start3A_18] : memref<8x128x64xf32, #tpu.memory_space<vmem>> -> memref<1x128x64xf32, #tpu.memory_space<vmem>>
    %dma_start3A_20 = tpu.memref_squeeze %dma_start3A_19 : memref<1x128x64xf32, #tpu.memory_space<vmem>> -> memref<128x64xf32, #tpu.memory_space<vmem>>
    %dma_start3A_21 = arith.constant 128 : i32
    %dma_start3A_22 = tpu.memref_slice %arg5[%dma_start3A_21] : memref<13312xi32, #tpu.memory_space<vmem>> -> memref<128xi32, #tpu.memory_space<vmem>>
    %dma_start3A_23 = arith.constant 0 : i32
    %dma_start3A_24 = arith.constant 0 : i32
    %dma_start3A_25 = tpu.memref_slice %arg3[%dma_start3A_23, %dma_start3A_24] : memref<1000000x64xf32, #tpu.memory_space<hbm>> -> memref<1000000x64xf32, #tpu.memory_space<hbm>>
    %dma_start3A_26 = tpu.memref_slice %arg7[%dma_start3A_16] : memref<8x!tpu.dma_semaphore, #tpu.memory_space<semaphore_mem>> -> memref<1x!tpu.dma_semaphore, #tpu.memory_space<semaphore_mem>>
    %dma_start3A_27 = tpu.memref_squeeze %dma_start3A_26 : memref<1x!tpu.dma_semaphore, #tpu.memory_space<semaphore_mem>> -> memref<!tpu.dma_semaphore, #tpu.memory_space<semaphore_mem>>
    tpu.enqueue_indirect_dma source(%dma_start3A_25 : memref<1000000x64xf32, #tpu.memory_space<hbm>>) target(%dma_start3A_20 : memref<128x64xf32, #tpu.memory_space<vmem>>) offsets(%dma_start3A_22 : memref<128xi32, #tpu.memory_space<vmem>>) semaphore(%dma_start3A_27 : memref<!tpu.dma_semaphore, #tpu.memory_space<semaphore_mem>>)
    %dma_start3A_28 = arith.constant 2 : i32
    %dma_start3A_29 = arith.constant 2 : i32
    %dma_start3A_30 = arith.constant 0 : i32
    %dma_start3A_31 = arith.constant 0 : i32
    %dma_start3A_32 = tpu.memref_slice %arg6[%dma_start3A_28, %dma_start3A_30, %dma_start3A_31] : memref<8x128x64xf32, #tpu.memory_space<vmem>> -> memref<1x128x64xf32, #tpu.memory_space<vmem>>
    %dma_start3A_33 = tpu.memref_squeeze %dma_start3A_32 : memref<1x128x64xf32, #tpu.memory_space<vmem>> -> memref<128x64xf32, #tpu.memory_space<vmem>>
    %dma_start3A_34 = arith.constant 256 : i32
    %dma_start3A_35 = tpu.memref_slice %arg5[%dma_start3A_34] : memref<13312xi32, #tpu.memory_space<vmem>> -> memref<128xi32, #tpu.memory_space<vmem>>
    %dma_start3A_36 = arith.constant 0 : i32
    %dma_start3A_37 = arith.constant 0 : i32
    %dma_start3A_38 = tpu.memref_slice %arg3[%dma_start3A_36, %dma_start3A_37] : memref<1000000x64xf32, #tpu.memory_space<hbm>> -> memref<1000000x64xf32, #tpu.memory_space<hbm>>
    %dma_start3A_39 = tpu.memref_slice %arg7[%dma_start3A_29] : memref<8x!tpu.dma_semaphore, #tpu.memory_space<semaphore_mem>> -> memref<1x!tpu.dma_semaphore, #tpu.memory_space<semaphore_mem>>
    %dma_start3A_40 = tpu.memref_squeeze %dma_start3A_39 : memref<1x!tpu.dma_semaphore, #tpu.memory_space<semaphore_mem>> -> memref<!tpu.dma_semaphore, #tpu.memory_space<semaphore_mem>>
    tpu.enqueue_indirect_dma source(%dma_start3A_38 : memref<1000000x64xf32, #tpu.memory_space<hbm>>) target(%dma_start3A_33 : memref<128x64xf32, #tpu.memory_space<vmem>>) offsets(%dma_start3A_35 : memref<128xi32, #tpu.memory_space<vmem>>) semaphore(%dma_start3A_40 : memref<!tpu.dma_semaphore, #tpu.memory_space<semaphore_mem>>)
    %dma_start3A_41 = arith.constant 3 : i32
    %dma_start3A_42 = arith.constant 3 : i32
    %dma_start3A_43 = arith.constant 0 : i32
    %dma_start3A_44 = arith.constant 0 : i32
    %dma_start3A_45 = tpu.memref_slice %arg6[%dma_start3A_41, %dma_start3A_43, %dma_start3A_44] : memref<8x128x64xf32, #tpu.memory_space<vmem>> -> memref<1x128x64xf32, #tpu.memory_space<vmem>>
    %dma_start3A_46 = tpu.memref_squeeze %dma_start3A_45 : memref<1x128x64xf32, #tpu.memory_space<vmem>> -> memref<128x64xf32, #tpu.memory_space<vmem>>
    %dma_start3A_47 = arith.constant 384 : i32
    %dma_start3A_48 = tpu.memref_slice %arg5[%dma_start3A_47] : memref<13312xi32, #tpu.memory_space<vmem>> -> memref<128xi32, #tpu.memory_space<vmem>>
    %dma_start3A_49 = arith.constant 0 : i32
    %dma_start3A_50 = arith.constant 0 : i32
    %dma_start3A_51 = tpu.memref_slice %arg3[%dma_start3A_49, %dma_start3A_50] : memref<1000000x64xf32, #tpu.memory_space<hbm>> -> memref<1000000x64xf32, #tpu.memory_space<hbm>>
    %dma_start3A_52 = tpu.memref_slice %arg7[%dma_start3A_42] : memref<8x!tpu.dma_semaphore, #tpu.memory_space<semaphore_mem>> -> memref<1x!tpu.dma_semaphore, #tpu.memory_space<semaphore_mem>>
    %dma_start3A_53 = tpu.memref_squeeze %dma_start3A_52 : memref<1x!tpu.dma_semaphore, #tpu.memory_space<semaphore_mem>> -> memref<!tpu.dma_semaphore, #tpu.memory_space<semaphore_mem>>
    tpu.enqueue_indirect_dma source(%dma_start3A_51 : memref<1000000x64xf32, #tpu.memory_space<hbm>>) target(%dma_start3A_46 : memref<128x64xf32, #tpu.memory_space<vmem>>) offsets(%dma_start3A_48 : memref<128xi32, #tpu.memory_space<vmem>>) semaphore(%dma_start3A_53 : memref<!tpu.dma_semaphore, #tpu.memory_space<semaphore_mem>>)
    %dma_start3A_54 = arith.constant 4 : i32
    %dma_start3A_55 = arith.constant 4 : i32
    %dma_start3A_56 = arith.constant 0 : i32
    %dma_start3A_57 = arith.constant 0 : i32
    %dma_start3A_58 = tpu.memref_slice %arg6[%dma_start3A_54, %dma_start3A_56, %dma_start3A_57] : memref<8x128x64xf32, #tpu.memory_space<vmem>> -> memref<1x128x64xf32, #tpu.memory_space<vmem>>
    %dma_start3A_59 = tpu.memref_squeeze %dma_start3A_58 : memref<1x128x64xf32, #tpu.memory_space<vmem>> -> memref<128x64xf32, #tpu.memory_space<vmem>>
    %dma_start3A_60 = arith.constant 512 : i32
    %dma_start3A_61 = tpu.memref_slice %arg5[%dma_start3A_60] : memref<13312xi32, #tpu.memory_space<vmem>> -> memref<128xi32, #tpu.memory_space<vmem>>
    %dma_start3A_62 = arith.constant 0 : i32
    %dma_start3A_63 = arith.constant 0 : i32
    %dma_start3A_64 = tpu.memref_slice %arg3[%dma_start3A_62, %dma_start3A_63] : memref<1000000x64xf32, #tpu.memory_space<hbm>> -> memref<1000000x64xf32, #tpu.memory_space<hbm>>
    %dma_start3A_65 = tpu.memref_slice %arg7[%dma_start3A_55] : memref<8x!tpu.dma_semaphore, #tpu.memory_space<semaphore_mem>> -> memref<1x!tpu.dma_semaphore, #tpu.memory_space<semaphore_mem>>
    %dma_start3A_66 = tpu.memref_squeeze %dma_start3A_65 : memref<1x!tpu.dma_semaphore, #tpu.memory_space<semaphore_mem>> -> memref<!tpu.dma_semaphore, #tpu.memory_space<semaphore_mem>>
    tpu.enqueue_indirect_dma source(%dma_start3A_64 : memref<1000000x64xf32, #tpu.memory_space<hbm>>) target(%dma_start3A_59 : memref<128x64xf32, #tpu.memory_space<vmem>>) offsets(%dma_start3A_61 : memref<128xi32, #tpu.memory_space<vmem>>) semaphore(%dma_start3A_66 : memref<!tpu.dma_semaphore, #tpu.memory_space<semaphore_mem>>)
    %dma_start3A_67 = arith.constant 5 : i32
    %dma_start3A_68 = arith.constant 5 : i32
    %dma_start3A_69 = arith.constant 0 : i32
    %dma_start3A_70 = arith.constant 0 : i32
    %dma_start3A_71 = tpu.memref_slice %arg6[%dma_start3A_67, %dma_start3A_69, %dma_start3A_70] : memref<8x128x64xf32, #tpu.memory_space<vmem>> -> memref<1x128x64xf32, #tpu.memory_space<vmem>>
    %dma_start3A_72 = tpu.memref_squeeze %dma_start3A_71 : memref<1x128x64xf32, #tpu.memory_space<vmem>> -> memref<128x64xf32, #tpu.memory_space<vmem>>
    %dma_start3A_73 = arith.constant 640 : i32
    %dma_start3A_74 = tpu.memref_slice %arg5[%dma_start3A_73] : memref<13312xi32, #tpu.memory_space<vmem>> -> memref<128xi32, #tpu.memory_space<vmem>>
    %dma_start3A_75 = arith.constant 0 : i32
    %dma_start3A_76 = arith.constant 0 : i32
    %dma_start3A_77 = tpu.memref_slice %arg3[%dma_start3A_75, %dma_start3A_76] : memref<1000000x64xf32, #tpu.memory_space<hbm>> -> memref<1000000x64xf32, #tpu.memory_space<hbm>>
    %dma_start3A_78 = tpu.memref_slice %arg7[%dma_start3A_68] : memref<8x!tpu.dma_semaphore, #tpu.memory_space<semaphore_mem>> -> memref<1x!tpu.dma_semaphore, #tpu.memory_space<semaphore_mem>>
    %dma_start3A_79 = tpu.memref_squeeze %dma_start3A_78 : memref<1x!tpu.dma_semaphore, #tpu.memory_space<semaphore_mem>> -> memref<!tpu.dma_semaphore, #tpu.memory_space<semaphore_mem>>
    tpu.enqueue_indirect_dma source(%dma_start3A_77 : memref<1000000x64xf32, #tpu.memory_space<hbm>>) target(%dma_start3A_72 : memref<128x64xf32, #tpu.memory_space<vmem>>) offsets(%dma_start3A_74 : memref<128xi32, #tpu.memory_space<vmem>>) semaphore(%dma_start3A_79 : memref<!tpu.dma_semaphore, #tpu.memory_space<semaphore_mem>>)
    %dma_start3A_80 = arith.constant 6 : i32
    %dma_start3A_81 = arith.constant 6 : i32
    %dma_start3A_82 = arith.constant 0 : i32
    %dma_start3A_83 = arith.constant 0 : i32
    %dma_start3A_84 = tpu.memref_slice %arg6[%dma_start3A_80, %dma_start3A_82, %dma_start3A_83] : memref<8x128x64xf32, #tpu.memory_space<vmem>> -> memref<1x128x64xf32, #tpu.memory_space<vmem>>
    %dma_start3A_85 = tpu.memref_squeeze %dma_start3A_84 : memref<1x128x64xf32, #tpu.memory_space<vmem>> -> memref<128x64xf32, #tpu.memory_space<vmem>>
    %dma_start3A_86 = arith.constant 768 : i32
    %dma_start3A_87 = tpu.memref_slice %arg5[%dma_start3A_86] : memref<13312xi32, #tpu.memory_space<vmem>> -> memref<128xi32, #tpu.memory_space<vmem>>
    %dma_start3A_88 = arith.constant 0 : i32
    %dma_start3A_89 = arith.constant 0 : i32
    %dma_start3A_90 = tpu.memref_slice %arg3[%dma_start3A_88, %dma_start3A_89] : memref<1000000x64xf32, #tpu.memory_space<hbm>> -> memref<1000000x64xf32, #tpu.memory_space<hbm>>
    %dma_start3A_91 = tpu.memref_slice %arg7[%dma_start3A_81] : memref<8x!tpu.dma_semaphore, #tpu.memory_space<semaphore_mem>> -> memref<1x!tpu.dma_semaphore, #tpu.memory_space<semaphore_mem>>
    %dma_start3A_92 = tpu.memref_squeeze %dma_start3A_91 : memref<1x!tpu.dma_semaphore, #tpu.memory_space<semaphore_mem>> -> memref<!tpu.dma_semaphore, #tpu.memory_space<semaphore_mem>>
    tpu.enqueue_indirect_dma source(%dma_start3A_90 : memref<1000000x64xf32, #tpu.memory_space<hbm>>) target(%dma_start3A_85 : memref<128x64xf32, #tpu.memory_space<vmem>>) offsets(%dma_start3A_87 : memref<128xi32, #tpu.memory_space<vmem>>) semaphore(%dma_start3A_92 : memref<!tpu.dma_semaphore, #tpu.memory_space<semaphore_mem>>)
    %dma_start3A_93 = arith.constant 7 : i32
    %dma_start3A_94 = arith.constant 7 : i32
    %dma_start3A_95 = arith.constant 0 : i32
    %dma_start3A_96 = arith.constant 0 : i32
    %dma_start3A_97 = tpu.memref_slice %arg6[%dma_start3A_93, %dma_start3A_95, %dma_start3A_96] : memref<8x128x64xf32, #tpu.memory_space<vmem>> -> memref<1x128x64xf32, #tpu.memory_space<vmem>>
    %dma_start3A_98 = tpu.memref_squeeze %dma_start3A_97 : memref<1x128x64xf32, #tpu.memory_space<vmem>> -> memref<128x64xf32, #tpu.memory_space<vmem>>
    %dma_start3A_99 = arith.constant 896 : i32
    %dma_start3A_100 = tpu.memref_slice %arg5[%dma_start3A_99] : memref<13312xi32, #tpu.memory_space<vmem>> -> memref<128xi32, #tpu.memory_space<vmem>>
    %dma_start3A_101 = arith.constant 0 : i32
    %dma_start3A_102 = arith.constant 0 : i32
    %dma_start3A_103 = tpu.memref_slice %arg3[%dma_start3A_101, %dma_start3A_102] : memref<1000000x64xf32, #tpu.memory_space<hbm>> -> memref<1000000x64xf32, #tpu.memory_space<hbm>>
    %dma_start3A_104 = tpu.memref_slice %arg7[%dma_start3A_94] : memref<8x!tpu.dma_semaphore, #tpu.memory_space<semaphore_mem>> -> memref<1x!tpu.dma_semaphore, #tpu.memory_space<semaphore_mem>>
    %dma_start3A_105 = tpu.memref_squeeze %dma_start3A_104 : memref<1x!tpu.dma_semaphore, #tpu.memory_space<semaphore_mem>> -> memref<!tpu.dma_semaphore, #tpu.memory_space<semaphore_mem>>
    tpu.enqueue_indirect_dma source(%dma_start3A_103 : memref<1000000x64xf32, #tpu.memory_space<hbm>>) target(%dma_start3A_98 : memref<128x64xf32, #tpu.memory_space<vmem>>) offsets(%dma_start3A_100 : memref<128xi32, #tpu.memory_space<vmem>>) semaphore(%dma_start3A_105 : memref<!tpu.dma_semaphore, #tpu.memory_space<semaphore_mem>>)
    %scan3A = arith.constant 0 : i32
    %scan3A_106 = arith.constant 0 : i32
    %scan3A_107 = arith.constant 13 : i32
    %scan3A_108 = arith.addi %scan3A_106, %scan3A_107 : i32
    %scan3A_109 = arith.constant 1 : i32
    scf.for %scan3A_238 = %scan3A_106 to %scan3A_108 step %scan3A_109  : i32 {
      %dma_wait3A_239 = arith.constant 0 : i32
      %dma_wait3A_240 = arith.constant 0 : i32
      %dma_wait3A_241 = arith.constant 0 : i32
      %dma_wait3A_242 = arith.constant 0 : i32
      %dma_wait3A_243 = tpu.memref_slice %arg6[%dma_wait3A_239, %dma_wait3A_241, %dma_wait3A_242] : memref<8x128x64xf32, #tpu.memory_space<vmem>> -> memref<1x128x64xf32, #tpu.memory_space<vmem>>
      %dma_wait3A_244 = tpu.memref_squeeze %dma_wait3A_243 : memref<1x128x64xf32, #tpu.memory_space<vmem>> -> memref<128x64xf32, #tpu.memory_space<vmem>>
      %dma_wait3A_245 = arith.constant 0 : i32
      %dma_wait3A_246 = tpu.memref_slice %arg5[%dma_wait3A_245] : memref<13312xi32, #tpu.memory_space<vmem>> -> memref<128xi32, #tpu.memory_space<vmem>>
      %dma_wait3A_247 = arith.constant 0 : i32
      %dma_wait3A_248 = arith.constant 0 : i32
      %dma_wait3A_249 = tpu.memref_slice %arg3[%dma_wait3A_247, %dma_wait3A_248] : memref<1000000x64xf32, #tpu.memory_space<hbm>> -> memref<1000000x64xf32, #tpu.memory_space<hbm>>
      %dma_wait3A_250 = tpu.memref_slice %arg7[%dma_wait3A_240] : memref<8x!tpu.dma_semaphore, #tpu.memory_space<semaphore_mem>> -> memref<1x!tpu.dma_semaphore, #tpu.memory_space<semaphore_mem>>
      %dma_wait3A_251 = tpu.memref_squeeze %dma_wait3A_250 : memref<1x!tpu.dma_semaphore, #tpu.memory_space<semaphore_mem>> -> memref<!tpu.dma_semaphore, #tpu.memory_space<semaphore_mem>>
      tpu.wait_indirect_dma semaphore(%dma_wait3A_251 : memref<!tpu.dma_semaphore, #tpu.memory_space<semaphore_mem>>) src(%dma_wait3A_249 : memref<1000000x64xf32, #tpu.memory_space<hbm>>) dst(%dma_wait3A_244 : memref<128x64xf32, #tpu.memory_space<vmem>>)
      %mul3A_252 = arith.constant 8 : i32
      %mul3A_253 = arith.muli %scan3A_238, %mul3A_252 : i32
      %add3A_254 = arith.constant 0 : i32
      %add3A_255 = arith.addi %mul3A_253, %add3A_254 : i32
      %mul3A_256 = arith.constant 128 : i32
      %mul3A_257 = arith.muli %add3A_255, %mul3A_256 : i32
      %add3A_258 = arith.addi %mul3A_2, %mul3A_257 : i32
      %dma_start3A_259 = arith.constant 0 : i32
      %dma_start3A_260 = arith.constant 0 : i32
      %dma_start3A_261 = arith.constant 0 : i32
      %dma_start3A_262 = arith.constant 0 : i32
      %dma_start3A_263 = tpu.memref_slice %arg6[%dma_start3A_259, %dma_start3A_261, %dma_start3A_262] : memref<8x128x64xf32, #tpu.memory_space<vmem>> -> memref<1x128x64xf32, #tpu.memory_space<vmem>>
      %dma_start3A_264 = tpu.memref_squeeze %dma_start3A_263 : memref<1x128x64xf32, #tpu.memory_space<vmem>> -> memref<128x64xf32, #tpu.memory_space<vmem>>
      %dma_start3A_265 = arith.constant 0 : i32
      %dma_start3A_266 = tpu.memref_slice %arg4[%add3A_258, %dma_start3A_265] : memref<425984x64xf32, #tpu.memory_space<hbm>> -> memref<128x64xf32, #tpu.memory_space<hbm>>
      %dma_start3A_267 = tpu.memref_slice %arg8[%dma_start3A_260] : memref<8x!tpu.dma_semaphore, #tpu.memory_space<semaphore_mem>> -> memref<1x!tpu.dma_semaphore, #tpu.memory_space<semaphore_mem>>
      %dma_start3A_268 = tpu.memref_squeeze %dma_start3A_267 : memref<1x!tpu.dma_semaphore, #tpu.memory_space<semaphore_mem>> -> memref<!tpu.dma_semaphore, #tpu.memory_space<semaphore_mem>>
      %dma_start3A_269 = arith.constant 0 : i32
      %dma_start3A_270 = tpu.memref_slice %arg4[%add3A_258, %dma_start3A_269] : memref<425984x64xf32, #tpu.memory_space<hbm>> -> memref<128x64xf32, #tpu.memory_space<hbm>>
      %dma_start3A_271 = arith.constant 0 : i32
      %dma_start3A_272 = arith.constant 0 : i32
      %dma_start3A_273 = tpu.memref_slice %arg6[%dma_start3A_259, %dma_start3A_271, %dma_start3A_272] : memref<8x128x64xf32, #tpu.memory_space<vmem>> -> memref<1x128x64xf32, #tpu.memory_space<vmem>>
      %dma_start3A_274 = tpu.memref_squeeze %dma_start3A_273 : memref<1x128x64xf32, #tpu.memory_space<vmem>> -> memref<128x64xf32, #tpu.memory_space<vmem>>
      tpu.enqueue_dma source(%dma_start3A_274 : memref<128x64xf32, #tpu.memory_space<vmem>>) target(%dma_start3A_270 : memref<128x64xf32, #tpu.memory_space<hbm>>) target_semaphore(%dma_start3A_268 : memref<!tpu.dma_semaphore, #tpu.memory_space<semaphore_mem>>)
      %dma_wait3A_275 = arith.constant 1 : i32
      %dma_wait3A_276 = arith.constant 1 : i32
      %dma_wait3A_277 = arith.constant 0 : i32
      %dma_wait3A_278 = arith.constant 0 : i32
      %dma_wait3A_279 = tpu.memref_slice %arg6[%dma_wait3A_275, %dma_wait3A_277, %dma_wait3A_278] : memref<8x128x64xf32, #tpu.memory_space<vmem>> -> memref<1x128x64xf32, #tpu.memory_space<vmem>>
      %dma_wait3A_280 = tpu.memref_squeeze %dma_wait3A_279 : memref<1x128x64xf32, #tpu.memory_space<vmem>> -> memref<128x64xf32, #tpu.memory_space<vmem>>
      %dma_wait3A_281 = arith.constant 0 : i32
      %dma_wait3A_282 = tpu.memref_slice %arg5[%dma_wait3A_281] : memref<13312xi32, #tpu.memory_space<vmem>> -> memref<128xi32, #tpu.memory_space<vmem>>
      %dma_wait3A_283 = arith.constant 0 : i32
      %dma_wait3A_284 = arith.constant 0 : i32
      %dma_wait3A_285 = tpu.memref_slice %arg3[%dma_wait3A_283, %dma_wait3A_284] : memref<1000000x64xf32, #tpu.memory_space<hbm>> -> memref<1000000x64xf32, #tpu.memory_space<hbm>>
      %dma_wait3A_286 = tpu.memref_slice %arg7[%dma_wait3A_276] : memref<8x!tpu.dma_semaphore, #tpu.memory_space<semaphore_mem>> -> memref<1x!tpu.dma_semaphore, #tpu.memory_space<semaphore_mem>>
      %dma_wait3A_287 = tpu.memref_squeeze %dma_wait3A_286 : memref<1x!tpu.dma_semaphore, #tpu.memory_space<semaphore_mem>> -> memref<!tpu.dma_semaphore, #tpu.memory_space<semaphore_mem>>
      tpu.wait_indirect_dma semaphore(%dma_wait3A_287 : memref<!tpu.dma_semaphore, #tpu.memory_space<semaphore_mem>>) src(%dma_wait3A_285 : memref<1000000x64xf32, #tpu.memory_space<hbm>>) dst(%dma_wait3A_280 : memref<128x64xf32, #tpu.memory_space<vmem>>)
      %mul3A_288 = arith.constant 8 : i32
      %mul3A_289 = arith.muli %scan3A_238, %mul3A_288 : i32
      %add3A_290 = arith.constant 1 : i32
      %add3A_291 = arith.addi %mul3A_289, %add3A_290 : i32
      %mul3A_292 = arith.constant 128 : i32
      %mul3A_293 = arith.muli %add3A_291, %mul3A_292 : i32
      %add3A_294 = arith.addi %mul3A_2, %mul3A_293 : i32
      %dma_start3A_295 = arith.constant 1 : i32
      %dma_start3A_296 = arith.constant 1 : i32
      %dma_start3A_297 = arith.constant 0 : i32
      %dma_start3A_298 = arith.constant 0 : i32
      %dma_start3A_299 = tpu.memref_slice %arg6[%dma_start3A_295, %dma_start3A_297, %dma_start3A_298] : memref<8x128x64xf32, #tpu.memory_space<vmem>> -> memref<1x128x64xf32, #tpu.memory_space<vmem>>
      %dma_start3A_300 = tpu.memref_squeeze %dma_start3A_299 : memref<1x128x64xf32, #tpu.memory_space<vmem>> -> memref<128x64xf32, #tpu.memory_space<vmem>>
      %dma_start3A_301 = arith.constant 0 : i32
      %dma_start3A_302 = tpu.memref_slice %arg4[%add3A_294, %dma_start3A_301] : memref<425984x64xf32, #tpu.memory_space<hbm>> -> memref<128x64xf32, #tpu.memory_space<hbm>>
      %dma_start3A_303 = tpu.memref_slice %arg8[%dma_start3A_296] : memref<8x!tpu.dma_semaphore, #tpu.memory_space<semaphore_mem>> -> memref<1x!tpu.dma_semaphore, #tpu.memory_space<semaphore_mem>>
      %dma_start3A_304 = tpu.memref_squeeze %dma_start3A_303 : memref<1x!tpu.dma_semaphore, #tpu.memory_space<semaphore_mem>> -> memref<!tpu.dma_semaphore, #tpu.memory_space<semaphore_mem>>
      %dma_start3A_305 = arith.constant 0 : i32
      %dma_start3A_306 = tpu.memref_slice %arg4[%add3A_294, %dma_start3A_305] : memref<425984x64xf32, #tpu.memory_space<hbm>> -> memref<128x64xf32, #tpu.memory_space<hbm>>
      %dma_start3A_307 = arith.constant 0 : i32
      %dma_start3A_308 = arith.constant 0 : i32
      %dma_start3A_309 = tpu.memref_slice %arg6[%dma_start3A_295, %dma_start3A_307, %dma_start3A_308] : memref<8x128x64xf32, #tpu.memory_space<vmem>> -> memref<1x128x64xf32, #tpu.memory_space<vmem>>
      %dma_start3A_310 = tpu.memref_squeeze %dma_start3A_309 : memref<1x128x64xf32, #tpu.memory_space<vmem>> -> memref<128x64xf32, #tpu.memory_space<vmem>>
      tpu.enqueue_dma source(%dma_start3A_310 : memref<128x64xf32, #tpu.memory_space<vmem>>) target(%dma_start3A_306 : memref<128x64xf32, #tpu.memory_space<hbm>>) target_semaphore(%dma_start3A_304 : memref<!tpu.dma_semaphore, #tpu.memory_space<semaphore_mem>>)
      %dma_wait3A_311 = arith.constant 2 : i32
      %dma_wait3A_312 = arith.constant 2 : i32
      %dma_wait3A_313 = arith.constant 0 : i32
      %dma_wait3A_314 = arith.constant 0 : i32
      %dma_wait3A_315 = tpu.memref_slice %arg6[%dma_wait3A_311, %dma_wait3A_313, %dma_wait3A_314] : memref<8x128x64xf32, #tpu.memory_space<vmem>> -> memref<1x128x64xf32, #tpu.memory_space<vmem>>
      %dma_wait3A_316 = tpu.memref_squeeze %dma_wait3A_315 : memref<1x128x64xf32, #tpu.memory_space<vmem>> -> memref<128x64xf32, #tpu.memory_space<vmem>>
      %dma_wait3A_317 = arith.constant 0 : i32
      %dma_wait3A_318 = tpu.memref_slice %arg5[%dma_wait3A_317] : memref<13312xi32, #tpu.memory_space<vmem>> -> memref<128xi32, #tpu.memory_space<vmem>>
      %dma_wait3A_319 = arith.constant 0 : i32
      %dma_wait3A_320 = arith.constant 0 : i32
      %dma_wait3A_321 = tpu.memref_slice %arg3[%dma_wait3A_319, %dma_wait3A_320] : memref<1000000x64xf32, #tpu.memory_space<hbm>> -> memref<1000000x64xf32, #tpu.memory_space<hbm>>
      %dma_wait3A_322 = tpu.memref_slice %arg7[%dma_wait3A_312] : memref<8x!tpu.dma_semaphore, #tpu.memory_space<semaphore_mem>> -> memref<1x!tpu.dma_semaphore, #tpu.memory_space<semaphore_mem>>
      %dma_wait3A_323 = tpu.memref_squeeze %dma_wait3A_322 : memref<1x!tpu.dma_semaphore, #tpu.memory_space<semaphore_mem>> -> memref<!tpu.dma_semaphore, #tpu.memory_space<semaphore_mem>>
      tpu.wait_indirect_dma semaphore(%dma_wait3A_323 : memref<!tpu.dma_semaphore, #tpu.memory_space<semaphore_mem>>) src(%dma_wait3A_321 : memref<1000000x64xf32, #tpu.memory_space<hbm>>) dst(%dma_wait3A_316 : memref<128x64xf32, #tpu.memory_space<vmem>>)
      %mul3A_324 = arith.constant 8 : i32
      %mul3A_325 = arith.muli %scan3A_238, %mul3A_324 : i32
      %add3A_326 = arith.constant 2 : i32
      %add3A_327 = arith.addi %mul3A_325, %add3A_326 : i32
      %mul3A_328 = arith.constant 128 : i32
      %mul3A_329 = arith.muli %add3A_327, %mul3A_328 : i32
      %add3A_330 = arith.addi %mul3A_2, %mul3A_329 : i32
      %dma_start3A_331 = arith.constant 2 : i32
      %dma_start3A_332 = arith.constant 2 : i32
      %dma_start3A_333 = arith.constant 0 : i32
      %dma_start3A_334 = arith.constant 0 : i32
      %dma_start3A_335 = tpu.memref_slice %arg6[%dma_start3A_331, %dma_start3A_333, %dma_start3A_334] : memref<8x128x64xf32, #tpu.memory_space<vmem>> -> memref<1x128x64xf32, #tpu.memory_space<vmem>>
      %dma_start3A_336 = tpu.memref_squeeze %dma_start3A_335 : memref<1x128x64xf32, #tpu.memory_space<vmem>> -> memref<128x64xf32, #tpu.memory_space<vmem>>
      %dma_start3A_337 = arith.constant 0 : i32
      %dma_start3A_338 = tpu.memref_slice %arg4[%add3A_330, %dma_start3A_337] : memref<425984x64xf32, #tpu.memory_space<hbm>> -> memref<128x64xf32, #tpu.memory_space<hbm>>
      %dma_start3A_339 = tpu.memref_slice %arg8[%dma_start3A_332] : memref<8x!tpu.dma_semaphore, #tpu.memory_space<semaphore_mem>> -> memref<1x!tpu.dma_semaphore, #tpu.memory_space<semaphore_mem>>
      %dma_start3A_340 = tpu.memref_squeeze %dma_start3A_339 : memref<1x!tpu.dma_semaphore, #tpu.memory_space<semaphore_mem>> -> memref<!tpu.dma_semaphore, #tpu.memory_space<semaphore_mem>>
      %dma_start3A_341 = arith.constant 0 : i32
      %dma_start3A_342 = tpu.memref_slice %arg4[%add3A_330, %dma_start3A_341] : memref<425984x64xf32, #tpu.memory_space<hbm>> -> memref<128x64xf32, #tpu.memory_space<hbm>>
      %dma_start3A_343 = arith.constant 0 : i32
      %dma_start3A_344 = arith.constant 0 : i32
      %dma_start3A_345 = tpu.memref_slice %arg6[%dma_start3A_331, %dma_start3A_343, %dma_start3A_344] : memref<8x128x64xf32, #tpu.memory_space<vmem>> -> memref<1x128x64xf32, #tpu.memory_space<vmem>>
      %dma_start3A_346 = tpu.memref_squeeze %dma_start3A_345 : memref<1x128x64xf32, #tpu.memory_space<vmem>> -> memref<128x64xf32, #tpu.memory_space<vmem>>
      tpu.enqueue_dma source(%dma_start3A_346 : memref<128x64xf32, #tpu.memory_space<vmem>>) target(%dma_start3A_342 : memref<128x64xf32, #tpu.memory_space<hbm>>) target_semaphore(%dma_start3A_340 : memref<!tpu.dma_semaphore, #tpu.memory_space<semaphore_mem>>)
      %dma_wait3A_347 = arith.constant 3 : i32
      %dma_wait3A_348 = arith.constant 3 : i32
      %dma_wait3A_349 = arith.constant 0 : i32
      %dma_wait3A_350 = arith.constant 0 : i32
      %dma_wait3A_351 = tpu.memref_slice %arg6[%dma_wait3A_347, %dma_wait3A_349, %dma_wait3A_350] : memref<8x128x64xf32, #tpu.memory_space<vmem>> -> memref<1x128x64xf32, #tpu.memory_space<vmem>>
      %dma_wait3A_352 = tpu.memref_squeeze %dma_wait3A_351 : memref<1x128x64xf32, #tpu.memory_space<vmem>> -> memref<128x64xf32, #tpu.memory_space<vmem>>
      %dma_wait3A_353 = arith.constant 0 : i32
      %dma_wait3A_354 = tpu.memref_slice %arg5[%dma_wait3A_353] : memref<13312xi32, #tpu.memory_space<vmem>> -> memref<128xi32, #tpu.memory_space<vmem>>
      %dma_wait3A_355 = arith.constant 0 : i32
      %dma_wait3A_356 = arith.constant 0 : i32
      %dma_wait3A_357 = tpu.memref_slice %arg3[%dma_wait3A_355, %dma_wait3A_356] : memref<1000000x64xf32, #tpu.memory_space<hbm>> -> memref<1000000x64xf32, #tpu.memory_space<hbm>>
      %dma_wait3A_358 = tpu.memref_slice %arg7[%dma_wait3A_348] : memref<8x!tpu.dma_semaphore, #tpu.memory_space<semaphore_mem>> -> memref<1x!tpu.dma_semaphore, #tpu.memory_space<semaphore_mem>>
      %dma_wait3A_359 = tpu.memref_squeeze %dma_wait3A_358 : memref<1x!tpu.dma_semaphore, #tpu.memory_space<semaphore_mem>> -> memref<!tpu.dma_semaphore, #tpu.memory_space<semaphore_mem>>
      tpu.wait_indirect_dma semaphore(%dma_wait3A_359 : memref<!tpu.dma_semaphore, #tpu.memory_space<semaphore_mem>>) src(%dma_wait3A_357 : memref<1000000x64xf32, #tpu.memory_space<hbm>>) dst(%dma_wait3A_352 : memref<128x64xf32, #tpu.memory_space<vmem>>)
      %mul3A_360 = arith.constant 8 : i32
      %mul3A_361 = arith.muli %scan3A_238, %mul3A_360 : i32
      %add3A_362 = arith.constant 3 : i32
      %add3A_363 = arith.addi %mul3A_361, %add3A_362 : i32
      %mul3A_364 = arith.constant 128 : i32
      %mul3A_365 = arith.muli %add3A_363, %mul3A_364 : i32
      %add3A_366 = arith.addi %mul3A_2, %mul3A_365 : i32
      %dma_start3A_367 = arith.constant 3 : i32
      %dma_start3A_368 = arith.constant 3 : i32
      %dma_start3A_369 = arith.constant 0 : i32
      %dma_start3A_370 = arith.constant 0 : i32
      %dma_start3A_371 = tpu.memref_slice %arg6[%dma_start3A_367, %dma_start3A_369, %dma_start3A_370] : memref<8x128x64xf32, #tpu.memory_space<vmem>> -> memref<1x128x64xf32, #tpu.memory_space<vmem>>
      %dma_start3A_372 = tpu.memref_squeeze %dma_start3A_371 : memref<1x128x64xf32, #tpu.memory_space<vmem>> -> memref<128x64xf32, #tpu.memory_space<vmem>>
      %dma_start3A_373 = arith.constant 0 : i32
      %dma_start3A_374 = tpu.memref_slice %arg4[%add3A_366, %dma_start3A_373] : memref<425984x64xf32, #tpu.memory_space<hbm>> -> memref<128x64xf32, #tpu.memory_space<hbm>>
      %dma_start3A_375 = tpu.memref_slice %arg8[%dma_start3A_368] : memref<8x!tpu.dma_semaphore, #tpu.memory_space<semaphore_mem>> -> memref<1x!tpu.dma_semaphore, #tpu.memory_space<semaphore_mem>>
      %dma_start3A_376 = tpu.memref_squeeze %dma_start3A_375 : memref<1x!tpu.dma_semaphore, #tpu.memory_space<semaphore_mem>> -> memref<!tpu.dma_semaphore, #tpu.memory_space<semaphore_mem>>
      %dma_start3A_377 = arith.constant 0 : i32
      %dma_start3A_378 = tpu.memref_slice %arg4[%add3A_366, %dma_start3A_377] : memref<425984x64xf32, #tpu.memory_space<hbm>> -> memref<128x64xf32, #tpu.memory_space<hbm>>
      %dma_start3A_379 = arith.constant 0 : i32
      %dma_start3A_380 = arith.constant 0 : i32
      %dma_start3A_381 = tpu.memref_slice %arg6[%dma_start3A_367, %dma_start3A_379, %dma_start3A_380] : memref<8x128x64xf32, #tpu.memory_space<vmem>> -> memref<1x128x64xf32, #tpu.memory_space<vmem>>
      %dma_start3A_382 = tpu.memref_squeeze %dma_start3A_381 : memref<1x128x64xf32, #tpu.memory_space<vmem>> -> memref<128x64xf32, #tpu.memory_space<vmem>>
      tpu.enqueue_dma source(%dma_start3A_382 : memref<128x64xf32, #tpu.memory_space<vmem>>) target(%dma_start3A_378 : memref<128x64xf32, #tpu.memory_space<hbm>>) target_semaphore(%dma_start3A_376 : memref<!tpu.dma_semaphore, #tpu.memory_space<semaphore_mem>>)
      %dma_wait3A_383 = arith.constant 4 : i32
      %dma_wait3A_384 = arith.constant 4 : i32
      %dma_wait3A_385 = arith.constant 0 : i32
      %dma_wait3A_386 = arith.constant 0 : i32
      %dma_wait3A_387 = tpu.memref_slice %arg6[%dma_wait3A_383, %dma_wait3A_385, %dma_wait3A_386] : memref<8x128x64xf32, #tpu.memory_space<vmem>> -> memref<1x128x64xf32, #tpu.memory_space<vmem>>
      %dma_wait3A_388 = tpu.memref_squeeze %dma_wait3A_387 : memref<1x128x64xf32, #tpu.memory_space<vmem>> -> memref<128x64xf32, #tpu.memory_space<vmem>>
      %dma_wait3A_389 = arith.constant 0 : i32
      %dma_wait3A_390 = tpu.memref_slice %arg5[%dma_wait3A_389] : memref<13312xi32, #tpu.memory_space<vmem>> -> memref<128xi32, #tpu.memory_space<vmem>>
      %dma_wait3A_391 = arith.constant 0 : i32
      %dma_wait3A_392 = arith.constant 0 : i32
      %dma_wait3A_393 = tpu.memref_slice %arg3[%dma_wait3A_391, %dma_wait3A_392] : memref<1000000x64xf32, #tpu.memory_space<hbm>> -> memref<1000000x64xf32, #tpu.memory_space<hbm>>
      %dma_wait3A_394 = tpu.memref_slice %arg7[%dma_wait3A_384] : memref<8x!tpu.dma_semaphore, #tpu.memory_space<semaphore_mem>> -> memref<1x!tpu.dma_semaphore, #tpu.memory_space<semaphore_mem>>
      %dma_wait3A_395 = tpu.memref_squeeze %dma_wait3A_394 : memref<1x!tpu.dma_semaphore, #tpu.memory_space<semaphore_mem>> -> memref<!tpu.dma_semaphore, #tpu.memory_space<semaphore_mem>>
      tpu.wait_indirect_dma semaphore(%dma_wait3A_395 : memref<!tpu.dma_semaphore, #tpu.memory_space<semaphore_mem>>) src(%dma_wait3A_393 : memref<1000000x64xf32, #tpu.memory_space<hbm>>) dst(%dma_wait3A_388 : memref<128x64xf32, #tpu.memory_space<vmem>>)
      %mul3A_396 = arith.constant 8 : i32
      %mul3A_397 = arith.muli %scan3A_238, %mul3A_396 : i32
      %add3A_398 = arith.constant 4 : i32
      %add3A_399 = arith.addi %mul3A_397, %add3A_398 : i32
      %mul3A_400 = arith.constant 128 : i32
      %mul3A_401 = arith.muli %add3A_399, %mul3A_400 : i32
      %add3A_402 = arith.addi %mul3A_2, %mul3A_401 : i32
      %dma_start3A_403 = arith.constant 4 : i32
      %dma_start3A_404 = arith.constant 4 : i32
      %dma_start3A_405 = arith.constant 0 : i32
      %dma_start3A_406 = arith.constant 0 : i32
      %dma_start3A_407 = tpu.memref_slice %arg6[%dma_start3A_403, %dma_start3A_405, %dma_start3A_406] : memref<8x128x64xf32, #tpu.memory_space<vmem>> -> memref<1x128x64xf32, #tpu.memory_space<vmem>>
      %dma_start3A_408 = tpu.memref_squeeze %dma_start3A_407 : memref<1x128x64xf32, #tpu.memory_space<vmem>> -> memref<128x64xf32, #tpu.memory_space<vmem>>
      %dma_start3A_409 = arith.constant 0 : i32
      %dma_start3A_410 = tpu.memref_slice %arg4[%add3A_402, %dma_start3A_409] : memref<425984x64xf32, #tpu.memory_space<hbm>> -> memref<128x64xf32, #tpu.memory_space<hbm>>
      %dma_start3A_411 = tpu.memref_slice %arg8[%dma_start3A_404] : memref<8x!tpu.dma_semaphore, #tpu.memory_space<semaphore_mem>> -> memref<1x!tpu.dma_semaphore, #tpu.memory_space<semaphore_mem>>
      %dma_start3A_412 = tpu.memref_squeeze %dma_start3A_411 : memref<1x!tpu.dma_semaphore, #tpu.memory_space<semaphore_mem>> -> memref<!tpu.dma_semaphore, #tpu.memory_space<semaphore_mem>>
      %dma_start3A_413 = arith.constant 0 : i32
      %dma_start3A_414 = tpu.memref_slice %arg4[%add3A_402, %dma_start3A_413] : memref<425984x64xf32, #tpu.memory_space<hbm>> -> memref<128x64xf32, #tpu.memory_space<hbm>>
      %dma_start3A_415 = arith.constant 0 : i32
      %dma_start3A_416 = arith.constant 0 : i32
      %dma_start3A_417 = tpu.memref_slice %arg6[%dma_start3A_403, %dma_start3A_415, %dma_start3A_416] : memref<8x128x64xf32, #tpu.memory_space<vmem>> -> memref<1x128x64xf32, #tpu.memory_space<vmem>>
      %dma_start3A_418 = tpu.memref_squeeze %dma_start3A_417 : memref<1x128x64xf32, #tpu.memory_space<vmem>> -> memref<128x64xf32, #tpu.memory_space<vmem>>
      tpu.enqueue_dma source(%dma_start3A_418 : memref<128x64xf32, #tpu.memory_space<vmem>>) target(%dma_start3A_414 : memref<128x64xf32, #tpu.memory_space<hbm>>) target_semaphore(%dma_start3A_412 : memref<!tpu.dma_semaphore, #tpu.memory_space<semaphore_mem>>)
      %dma_wait3A_419 = arith.constant 5 : i32
      %dma_wait3A_420 = arith.constant 5 : i32
      %dma_wait3A_421 = arith.constant 0 : i32
      %dma_wait3A_422 = arith.constant 0 : i32
      %dma_wait3A_423 = tpu.memref_slice %arg6[%dma_wait3A_419, %dma_wait3A_421, %dma_wait3A_422] : memref<8x128x64xf32, #tpu.memory_space<vmem>> -> memref<1x128x64xf32, #tpu.memory_space<vmem>>
      %dma_wait3A_424 = tpu.memref_squeeze %dma_wait3A_423 : memref<1x128x64xf32, #tpu.memory_space<vmem>> -> memref<128x64xf32, #tpu.memory_space<vmem>>
      %dma_wait3A_425 = arith.constant 0 : i32
      %dma_wait3A_426 = tpu.memref_slice %arg5[%dma_wait3A_425] : memref<13312xi32, #tpu.memory_space<vmem>> -> memref<128xi32, #tpu.memory_space<vmem>>
      %dma_wait3A_427 = arith.constant 0 : i32
      %dma_wait3A_428 = arith.constant 0 : i32
      %dma_wait3A_429 = tpu.memref_slice %arg3[%dma_wait3A_427, %dma_wait3A_428] : memref<1000000x64xf32, #tpu.memory_space<hbm>> -> memref<1000000x64xf32, #tpu.memory_space<hbm>>
      %dma_wait3A_430 = tpu.memref_slice %arg7[%dma_wait3A_420] : memref<8x!tpu.dma_semaphore, #tpu.memory_space<semaphore_mem>> -> memref<1x!tpu.dma_semaphore, #tpu.memory_space<semaphore_mem>>
      %dma_wait3A_431 = tpu.memref_squeeze %dma_wait3A_430 : memref<1x!tpu.dma_semaphore, #tpu.memory_space<semaphore_mem>> -> memref<!tpu.dma_semaphore, #tpu.memory_space<semaphore_mem>>
      tpu.wait_indirect_dma semaphore(%dma_wait3A_431 : memref<!tpu.dma_semaphore, #tpu.memory_space<semaphore_mem>>) src(%dma_wait3A_429 : memref<1000000x64xf32, #tpu.memory_space<hbm>>) dst(%dma_wait3A_424 : memref<128x64xf32, #tpu.memory_space<vmem>>)
      %mul3A_432 = arith.constant 8 : i32
      %mul3A_433 = arith.muli %scan3A_238, %mul3A_432 : i32
      %add3A_434 = arith.constant 5 : i32
      %add3A_435 = arith.addi %mul3A_433, %add3A_434 : i32
      %mul3A_436 = arith.constant 128 : i32
      %mul3A_437 = arith.muli %add3A_435, %mul3A_436 : i32
      %add3A_438 = arith.addi %mul3A_2, %mul3A_437 : i32
      %dma_start3A_439 = arith.constant 5 : i32
      %dma_start3A_440 = arith.constant 5 : i32
      %dma_start3A_441 = arith.constant 0 : i32
      %dma_start3A_442 = arith.constant 0 : i32
      %dma_start3A_443 = tpu.memref_slice %arg6[%dma_start3A_439, %dma_start3A_441, %dma_start3A_442] : memref<8x128x64xf32, #tpu.memory_space<vmem>> -> memref<1x128x64xf32, #tpu.memory_space<vmem>>
      %dma_start3A_444 = tpu.memref_squeeze %dma_start3A_443 : memref<1x128x64xf32, #tpu.memory_space<vmem>> -> memref<128x64xf32, #tpu.memory_space<vmem>>
      %dma_start3A_445 = arith.constant 0 : i32
      %dma_start3A_446 = tpu.memref_slice %arg4[%add3A_438, %dma_start3A_445] : memref<425984x64xf32, #tpu.memory_space<hbm>> -> memref<128x64xf32, #tpu.memory_space<hbm>>
      %dma_start3A_447 = tpu.memref_slice %arg8[%dma_start3A_440] : memref<8x!tpu.dma_semaphore, #tpu.memory_space<semaphore_mem>> -> memref<1x!tpu.dma_semaphore, #tpu.memory_space<semaphore_mem>>
      %dma_start3A_448 = tpu.memref_squeeze %dma_start3A_447 : memref<1x!tpu.dma_semaphore, #tpu.memory_space<semaphore_mem>> -> memref<!tpu.dma_semaphore, #tpu.memory_space<semaphore_mem>>
      %dma_start3A_449 = arith.constant 0 : i32
      %dma_start3A_450 = tpu.memref_slice %arg4[%add3A_438, %dma_start3A_449] : memref<425984x64xf32, #tpu.memory_space<hbm>> -> memref<128x64xf32, #tpu.memory_space<hbm>>
      %dma_start3A_451 = arith.constant 0 : i32
      %dma_start3A_452 = arith.constant 0 : i32
      %dma_start3A_453 = tpu.memref_slice %arg6[%dma_start3A_439, %dma_start3A_451, %dma_start3A_452] : memref<8x128x64xf32, #tpu.memory_space<vmem>> -> memref<1x128x64xf32, #tpu.memory_space<vmem>>
      %dma_start3A_454 = tpu.memref_squeeze %dma_start3A_453 : memref<1x128x64xf32, #tpu.memory_space<vmem>> -> memref<128x64xf32, #tpu.memory_space<vmem>>
      tpu.enqueue_dma source(%dma_start3A_454 : memref<128x64xf32, #tpu.memory_space<vmem>>) target(%dma_start3A_450 : memref<128x64xf32, #tpu.memory_space<hbm>>) target_semaphore(%dma_start3A_448 : memref<!tpu.dma_semaphore, #tpu.memory_space<semaphore_mem>>)
      %dma_wait3A_455 = arith.constant 6 : i32
      %dma_wait3A_456 = arith.constant 6 : i32
      %dma_wait3A_457 = arith.constant 0 : i32
      %dma_wait3A_458 = arith.constant 0 : i32
      %dma_wait3A_459 = tpu.memref_slice %arg6[%dma_wait3A_455, %dma_wait3A_457, %dma_wait3A_458] : memref<8x128x64xf32, #tpu.memory_space<vmem>> -> memref<1x128x64xf32, #tpu.memory_space<vmem>>
      %dma_wait3A_460 = tpu.memref_squeeze %dma_wait3A_459 : memref<1x128x64xf32, #tpu.memory_space<vmem>> -> memref<128x64xf32, #tpu.memory_space<vmem>>
      %dma_wait3A_461 = arith.constant 0 : i32
      %dma_wait3A_462 = tpu.memref_slice %arg5[%dma_wait3A_461] : memref<13312xi32, #tpu.memory_space<vmem>> -> memref<128xi32, #tpu.memory_space<vmem>>
      %dma_wait3A_463 = arith.constant 0 : i32
      %dma_wait3A_464 = arith.constant 0 : i32
      %dma_wait3A_465 = tpu.memref_slice %arg3[%dma_wait3A_463, %dma_wait3A_464] : memref<1000000x64xf32, #tpu.memory_space<hbm>> -> memref<1000000x64xf32, #tpu.memory_space<hbm>>
      %dma_wait3A_466 = tpu.memref_slice %arg7[%dma_wait3A_456] : memref<8x!tpu.dma_semaphore, #tpu.memory_space<semaphore_mem>> -> memref<1x!tpu.dma_semaphore, #tpu.memory_space<semaphore_mem>>
      %dma_wait3A_467 = tpu.memref_squeeze %dma_wait3A_466 : memref<1x!tpu.dma_semaphore, #tpu.memory_space<semaphore_mem>> -> memref<!tpu.dma_semaphore, #tpu.memory_space<semaphore_mem>>
      tpu.wait_indirect_dma semaphore(%dma_wait3A_467 : memref<!tpu.dma_semaphore, #tpu.memory_space<semaphore_mem>>) src(%dma_wait3A_465 : memref<1000000x64xf32, #tpu.memory_space<hbm>>) dst(%dma_wait3A_460 : memref<128x64xf32, #tpu.memory_space<vmem>>)
      %mul3A_468 = arith.constant 8 : i32
      %mul3A_469 = arith.muli %scan3A_238, %mul3A_468 : i32
      %add3A_470 = arith.constant 6 : i32
      %add3A_471 = arith.addi %mul3A_469, %add3A_470 : i32
      %mul3A_472 = arith.constant 128 : i32
      %mul3A_473 = arith.muli %add3A_471, %mul3A_472 : i32
      %add3A_474 = arith.addi %mul3A_2, %mul3A_473 : i32
      %dma_start3A_475 = arith.constant 6 : i32
      %dma_start3A_476 = arith.constant 6 : i32
      %dma_start3A_477 = arith.constant 0 : i32
      %dma_start3A_478 = arith.constant 0 : i32
      %dma_start3A_479 = tpu.memref_slice %arg6[%dma_start3A_475, %dma_start3A_477, %dma_start3A_478] : memref<8x128x64xf32, #tpu.memory_space<vmem>> -> memref<1x128x64xf32, #tpu.memory_space<vmem>>
      %dma_start3A_480 = tpu.memref_squeeze %dma_start3A_479 : memref<1x128x64xf32, #tpu.memory_space<vmem>> -> memref<128x64xf32, #tpu.memory_space<vmem>>
      %dma_start3A_481 = arith.constant 0 : i32
      %dma_start3A_482 = tpu.memref_slice %arg4[%add3A_474, %dma_start3A_481] : memref<425984x64xf32, #tpu.memory_space<hbm>> -> memref<128x64xf32, #tpu.memory_space<hbm>>
      %dma_start3A_483 = tpu.memref_slice %arg8[%dma_start3A_476] : memref<8x!tpu.dma_semaphore, #tpu.memory_space<semaphore_mem>> -> memref<1x!tpu.dma_semaphore, #tpu.memory_space<semaphore_mem>>
      %dma_start3A_484 = tpu.memref_squeeze %dma_start3A_483 : memref<1x!tpu.dma_semaphore, #tpu.memory_space<semaphore_mem>> -> memref<!tpu.dma_semaphore, #tpu.memory_space<semaphore_mem>>
      %dma_start3A_485 = arith.constant 0 : i32
      %dma_start3A_486 = tpu.memref_slice %arg4[%add3A_474, %dma_start3A_485] : memref<425984x64xf32, #tpu.memory_space<hbm>> -> memref<128x64xf32, #tpu.memory_space<hbm>>
      %dma_start3A_487 = arith.constant 0 : i32
      %dma_start3A_488 = arith.constant 0 : i32
      %dma_start3A_489 = tpu.memref_slice %arg6[%dma_start3A_475, %dma_start3A_487, %dma_start3A_488] : memref<8x128x64xf32, #tpu.memory_space<vmem>> -> memref<1x128x64xf32, #tpu.memory_space<vmem>>
      %dma_start3A_490 = tpu.memref_squeeze %dma_start3A_489 : memref<1x128x64xf32, #tpu.memory_space<vmem>> -> memref<128x64xf32, #tpu.memory_space<vmem>>
      tpu.enqueue_dma source(%dma_start3A_490 : memref<128x64xf32, #tpu.memory_space<vmem>>) target(%dma_start3A_486 : memref<128x64xf32, #tpu.memory_space<hbm>>) target_semaphore(%dma_start3A_484 : memref<!tpu.dma_semaphore, #tpu.memory_space<semaphore_mem>>)
      %dma_wait3A_491 = arith.constant 7 : i32
      %dma_wait3A_492 = arith.constant 7 : i32
      %dma_wait3A_493 = arith.constant 0 : i32
      %dma_wait3A_494 = arith.constant 0 : i32
      %dma_wait3A_495 = tpu.memref_slice %arg6[%dma_wait3A_491, %dma_wait3A_493, %dma_wait3A_494] : memref<8x128x64xf32, #tpu.memory_space<vmem>> -> memref<1x128x64xf32, #tpu.memory_space<vmem>>
      %dma_wait3A_496 = tpu.memref_squeeze %dma_wait3A_495 : memref<1x128x64xf32, #tpu.memory_space<vmem>> -> memref<128x64xf32, #tpu.memory_space<vmem>>
      %dma_wait3A_497 = arith.constant 0 : i32
      %dma_wait3A_498 = tpu.memref_slice %arg5[%dma_wait3A_497] : memref<13312xi32, #tpu.memory_space<vmem>> -> memref<128xi32, #tpu.memory_space<vmem>>
      %dma_wait3A_499 = arith.constant 0 : i32
      %dma_wait3A_500 = arith.constant 0 : i32
      %dma_wait3A_501 = tpu.memref_slice %arg3[%dma_wait3A_499, %dma_wait3A_500] : memref<1000000x64xf32, #tpu.memory_space<hbm>> -> memref<1000000x64xf32, #tpu.memory_space<hbm>>
      %dma_wait3A_502 = tpu.memref_slice %arg7[%dma_wait3A_492] : memref<8x!tpu.dma_semaphore, #tpu.memory_space<semaphore_mem>> -> memref<1x!tpu.dma_semaphore, #tpu.memory_space<semaphore_mem>>
      %dma_wait3A_503 = tpu.memref_squeeze %dma_wait3A_502 : memref<1x!tpu.dma_semaphore, #tpu.memory_space<semaphore_mem>> -> memref<!tpu.dma_semaphore, #tpu.memory_space<semaphore_mem>>
      tpu.wait_indirect_dma semaphore(%dma_wait3A_503 : memref<!tpu.dma_semaphore, #tpu.memory_space<semaphore_mem>>) src(%dma_wait3A_501 : memref<1000000x64xf32, #tpu.memory_space<hbm>>) dst(%dma_wait3A_496 : memref<128x64xf32, #tpu.memory_space<vmem>>)
      %mul3A_504 = arith.constant 8 : i32
      %mul3A_505 = arith.muli %scan3A_238, %mul3A_504 : i32
      %add3A_506 = arith.constant 7 : i32
      %add3A_507 = arith.addi %mul3A_505, %add3A_506 : i32
      %mul3A_508 = arith.constant 128 : i32
      %mul3A_509 = arith.muli %add3A_507, %mul3A_508 : i32
      %add3A_510 = arith.addi %mul3A_2, %mul3A_509 : i32
      %dma_start3A_511 = arith.constant 7 : i32
      %dma_start3A_512 = arith.constant 7 : i32
      %dma_start3A_513 = arith.constant 0 : i32
      %dma_start3A_514 = arith.constant 0 : i32
      %dma_start3A_515 = tpu.memref_slice %arg6[%dma_start3A_511, %dma_start3A_513, %dma_start3A_514] : memref<8x128x64xf32, #tpu.memory_space<vmem>> -> memref<1x128x64xf32, #tpu.memory_space<vmem>>
      %dma_start3A_516 = tpu.memref_squeeze %dma_start3A_515 : memref<1x128x64xf32, #tpu.memory_space<vmem>> -> memref<128x64xf32, #tpu.memory_space<vmem>>
      %dma_start3A_517 = arith.constant 0 : i32
      %dma_start3A_518 = tpu.memref_slice %arg4[%add3A_510, %dma_start3A_517] : memref<425984x64xf32, #tpu.memory_space<hbm>> -> memref<128x64xf32, #tpu.memory_space<hbm>>
      %dma_start3A_519 = tpu.memref_slice %arg8[%dma_start3A_512] : memref<8x!tpu.dma_semaphore, #tpu.memory_space<semaphore_mem>> -> memref<1x!tpu.dma_semaphore, #tpu.memory_space<semaphore_mem>>
      %dma_start3A_520 = tpu.memref_squeeze %dma_start3A_519 : memref<1x!tpu.dma_semaphore, #tpu.memory_space<semaphore_mem>> -> memref<!tpu.dma_semaphore, #tpu.memory_space<semaphore_mem>>
      %dma_start3A_521 = arith.constant 0 : i32
      %dma_start3A_522 = tpu.memref_slice %arg4[%add3A_510, %dma_start3A_521] : memref<425984x64xf32, #tpu.memory_space<hbm>> -> memref<128x64xf32, #tpu.memory_space<hbm>>
      %dma_start3A_523 = arith.constant 0 : i32
      %dma_start3A_524 = arith.constant 0 : i32
      %dma_start3A_525 = tpu.memref_slice %arg6[%dma_start3A_511, %dma_start3A_523, %dma_start3A_524] : memref<8x128x64xf32, #tpu.memory_space<vmem>> -> memref<1x128x64xf32, #tpu.memory_space<vmem>>
      %dma_start3A_526 = tpu.memref_squeeze %dma_start3A_525 : memref<1x128x64xf32, #tpu.memory_space<vmem>> -> memref<128x64xf32, #tpu.memory_space<vmem>>
      tpu.enqueue_dma source(%dma_start3A_526 : memref<128x64xf32, #tpu.memory_space<vmem>>) target(%dma_start3A_522 : memref<128x64xf32, #tpu.memory_space<hbm>>) target_semaphore(%dma_start3A_520 : memref<!tpu.dma_semaphore, #tpu.memory_space<semaphore_mem>>)
      %add3A_527 = arith.constant 1 : i32
      %add3A_528 = arith.addi %scan3A_238, %add3A_527 : i32
      %lt3A = arith.constant 13 : i32
      %lt3A_529 = arith.cmpi slt, %add3A_528, %lt3A : i32
      %convert_element_type3A = arith.extui %lt3A_529 : i1 to i32
      %cond3A = arith.constant 0 : i32
      %cond3A_530 = arith.cmpi ne, %convert_element_type3A, %cond3A : i32
      scf.if %cond3A_530 {
        %dma_wait3A_580 = arith.constant 0 : i32
        %dma_wait3A_581 = arith.constant 0 : i32
        %dma_wait3A_582 = arith.constant 0 : i32
        %dma_wait3A_583 = arith.constant 0 : i32
        %dma_wait3A_584 = tpu.memref_slice %arg6[%dma_wait3A_580, %dma_wait3A_582, %dma_wait3A_583] : memref<8x128x64xf32, #tpu.memory_space<vmem>> -> memref<1x128x64xf32, #tpu.memory_space<vmem>>
        %dma_wait3A_585 = tpu.memref_squeeze %dma_wait3A_584 : memref<1x128x64xf32, #tpu.memory_space<vmem>> -> memref<128x64xf32, #tpu.memory_space<vmem>>
        %dma_wait3A_586 = arith.constant 0 : i32
        %dma_wait3A_587 = tpu.memref_slice %arg4[%mul3A_2, %dma_wait3A_586] : memref<425984x64xf32, #tpu.memory_space<hbm>> -> memref<128x64xf32, #tpu.memory_space<hbm>>
        %dma_wait3A_588 = tpu.memref_slice %arg8[%dma_wait3A_581] : memref<8x!tpu.dma_semaphore, #tpu.memory_space<semaphore_mem>> -> memref<1x!tpu.dma_semaphore, #tpu.memory_space<semaphore_mem>>
        %dma_wait3A_589 = tpu.memref_squeeze %dma_wait3A_588 : memref<1x!tpu.dma_semaphore, #tpu.memory_space<semaphore_mem>> -> memref<!tpu.dma_semaphore, #tpu.memory_space<semaphore_mem>>
        %dma_wait3A_590 = arith.constant 0 : i32
        %dma_wait3A_591 = tpu.memref_slice %arg4[%mul3A_2, %dma_wait3A_590] : memref<425984x64xf32, #tpu.memory_space<hbm>> -> memref<128x64xf32, #tpu.memory_space<hbm>>
        %dma_wait3A_592 = arith.constant 0 : i32
        %dma_wait3A_593 = arith.constant 0 : i32
        %dma_wait3A_594 = tpu.memref_slice %arg6[%dma_wait3A_580, %dma_wait3A_592, %dma_wait3A_593] : memref<8x128x64xf32, #tpu.memory_space<vmem>> -> memref<1x128x64xf32, #tpu.memory_space<vmem>>
        %dma_wait3A_595 = tpu.memref_squeeze %dma_wait3A_594 : memref<1x128x64xf32, #tpu.memory_space<vmem>> -> memref<128x64xf32, #tpu.memory_space<vmem>>
        tpu.wait_dma2 semaphore(%dma_wait3A_589 : memref<!tpu.dma_semaphore, #tpu.memory_space<semaphore_mem>>) src(%dma_wait3A_595 : memref<128x64xf32, #tpu.memory_space<vmem>>) dst(%dma_wait3A_591 : memref<128x64xf32, #tpu.memory_space<hbm>>)
        %add3A_596 = arith.constant 1 : i32
        %add3A_597 = arith.addi %scan3A_238, %add3A_596 : i32
        %mul3A_598 = arith.constant 8 : i32
        %mul3A_599 = arith.muli %add3A_597, %mul3A_598 : i32
        %add3A_600 = arith.constant 0 : i32
        %add3A_601 = arith.addi %mul3A_599, %add3A_600 : i32
        %mul3A_602 = arith.constant 128 : i32
        %mul3A_603 = arith.muli %add3A_601, %mul3A_602 : i32
        %dma_start3A_604 = arith.constant 0 : i32
        %dma_start3A_605 = arith.constant 0 : i32
        %dma_start3A_606 = arith.constant 0 : i32
        %dma_start3A_607 = arith.constant 0 : i32
        %dma_start3A_608 = tpu.memref_slice %arg6[%dma_start3A_604, %dma_start3A_606, %dma_start3A_607] : memref<8x128x64xf32, #tpu.memory_space<vmem>> -> memref<1x128x64xf32, #tpu.memory_space<vmem>>
        %dma_start3A_609 = tpu.memref_squeeze %dma_start3A_608 : memref<1x128x64xf32, #tpu.memory_space<vmem>> -> memref<128x64xf32, #tpu.memory_space<vmem>>
        %dma_start3A_610 = tpu.memref_slice %arg5[%mul3A_603] : memref<13312xi32, #tpu.memory_space<vmem>> -> memref<128xi32, #tpu.memory_space<vmem>>
        %dma_start3A_611 = arith.constant 0 : i32
        %dma_start3A_612 = arith.constant 0 : i32
        %dma_start3A_613 = tpu.memref_slice %arg3[%dma_start3A_611, %dma_start3A_612] : memref<1000000x64xf32, #tpu.memory_space<hbm>> -> memref<1000000x64xf32, #tpu.memory_space<hbm>>
        %dma_start3A_614 = tpu.memref_slice %arg7[%dma_start3A_605] : memref<8x!tpu.dma_semaphore, #tpu.memory_space<semaphore_mem>> -> memref<1x!tpu.dma_semaphore, #tpu.memory_space<semaphore_mem>>
        %dma_start3A_615 = tpu.memref_squeeze %dma_start3A_614 : memref<1x!tpu.dma_semaphore, #tpu.memory_space<semaphore_mem>> -> memref<!tpu.dma_semaphore, #tpu.memory_space<semaphore_mem>>
        tpu.enqueue_indirect_dma source(%dma_start3A_613 : memref<1000000x64xf32, #tpu.memory_space<hbm>>) target(%dma_start3A_609 : memref<128x64xf32, #tpu.memory_space<vmem>>) offsets(%dma_start3A_610 : memref<128xi32, #tpu.memory_space<vmem>>) semaphore(%dma_start3A_615 : memref<!tpu.dma_semaphore, #tpu.memory_space<semaphore_mem>>)
      } else {
      }
      %add3A_531 = arith.constant 1 : i32
      %add3A_532 = arith.addi %scan3A_238, %add3A_531 : i32
      %lt3A_533 = arith.constant 13 : i32
      %lt3A_534 = arith.cmpi slt, %add3A_532, %lt3A_533 : i32
      %convert_element_type3A_535 = arith.extui %lt3A_534 : i1 to i32
      %cond3A_536 = arith.constant 0 : i32
      %cond3A_537 = arith.cmpi ne, %convert_element_type3A_535, %cond3A_536 : i32
      scf.if %cond3A_537 {
        %dma_wait3A_580 = arith.constant 1 : i32
        %dma_wait3A_581 = arith.constant 1 : i32
        %dma_wait3A_582 = arith.constant 0 : i32
        %dma_wait3A_583 = arith.constant 0 : i32
        %dma_wait3A_584 = tpu.memref_slice %arg6[%dma_wait3A_580, %dma_wait3A_582, %dma_wait3A_583] : memref<8x128x64xf32, #tpu.memory_space<vmem>> -> memref<1x128x64xf32, #tpu.memory_space<vmem>>
        %dma_wait3A_585 = tpu.memref_squeeze %dma_wait3A_584 : memref<1x128x64xf32, #tpu.memory_space<vmem>> -> memref<128x64xf32, #tpu.memory_space<vmem>>
        %dma_wait3A_586 = arith.constant 0 : i32
        %dma_wait3A_587 = tpu.memref_slice %arg4[%mul3A_2, %dma_wait3A_586] : memref<425984x64xf32, #tpu.memory_space<hbm>> -> memref<128x64xf32, #tpu.memory_space<hbm>>
        %dma_wait3A_588 = tpu.memref_slice %arg8[%dma_wait3A_581] : memref<8x!tpu.dma_semaphore, #tpu.memory_space<semaphore_mem>> -> memref<1x!tpu.dma_semaphore, #tpu.memory_space<semaphore_mem>>
        %dma_wait3A_589 = tpu.memref_squeeze %dma_wait3A_588 : memref<1x!tpu.dma_semaphore, #tpu.memory_space<semaphore_mem>> -> memref<!tpu.dma_semaphore, #tpu.memory_space<semaphore_mem>>
        %dma_wait3A_590 = arith.constant 0 : i32
        %dma_wait3A_591 = tpu.memref_slice %arg4[%mul3A_2, %dma_wait3A_590] : memref<425984x64xf32, #tpu.memory_space<hbm>> -> memref<128x64xf32, #tpu.memory_space<hbm>>
        %dma_wait3A_592 = arith.constant 0 : i32
        %dma_wait3A_593 = arith.constant 0 : i32
        %dma_wait3A_594 = tpu.memref_slice %arg6[%dma_wait3A_580, %dma_wait3A_592, %dma_wait3A_593] : memref<8x128x64xf32, #tpu.memory_space<vmem>> -> memref<1x128x64xf32, #tpu.memory_space<vmem>>
        %dma_wait3A_595 = tpu.memref_squeeze %dma_wait3A_594 : memref<1x128x64xf32, #tpu.memory_space<vmem>> -> memref<128x64xf32, #tpu.memory_space<vmem>>
        tpu.wait_dma2 semaphore(%dma_wait3A_589 : memref<!tpu.dma_semaphore, #tpu.memory_space<semaphore_mem>>) src(%dma_wait3A_595 : memref<128x64xf32, #tpu.memory_space<vmem>>) dst(%dma_wait3A_591 : memref<128x64xf32, #tpu.memory_space<hbm>>)
        %add3A_596 = arith.constant 1 : i32
        %add3A_597 = arith.addi %scan3A_238, %add3A_596 : i32
        %mul3A_598 = arith.constant 8 : i32
        %mul3A_599 = arith.muli %add3A_597, %mul3A_598 : i32
        %add3A_600 = arith.constant 1 : i32
        %add3A_601 = arith.addi %mul3A_599, %add3A_600 : i32
        %mul3A_602 = arith.constant 128 : i32
        %mul3A_603 = arith.muli %add3A_601, %mul3A_602 : i32
        %dma_start3A_604 = arith.constant 1 : i32
        %dma_start3A_605 = arith.constant 1 : i32
        %dma_start3A_606 = arith.constant 0 : i32
        %dma_start3A_607 = arith.constant 0 : i32
        %dma_start3A_608 = tpu.memref_slice %arg6[%dma_start3A_604, %dma_start3A_606, %dma_start3A_607] : memref<8x128x64xf32, #tpu.memory_space<vmem>> -> memref<1x128x64xf32, #tpu.memory_space<vmem>>
        %dma_start3A_609 = tpu.memref_squeeze %dma_start3A_608 : memref<1x128x64xf32, #tpu.memory_space<vmem>> -> memref<128x64xf32, #tpu.memory_space<vmem>>
        %dma_start3A_610 = tpu.memref_slice %arg5[%mul3A_603] : memref<13312xi32, #tpu.memory_space<vmem>> -> memref<128xi32, #tpu.memory_space<vmem>>
        %dma_start3A_611 = arith.constant 0 : i32
        %dma_start3A_612 = arith.constant 0 : i32
        %dma_start3A_613 = tpu.memref_slice %arg3[%dma_start3A_611, %dma_start3A_612] : memref<1000000x64xf32, #tpu.memory_space<hbm>> -> memref<1000000x64xf32, #tpu.memory_space<hbm>>
        %dma_start3A_614 = tpu.memref_slice %arg7[%dma_start3A_605] : memref<8x!tpu.dma_semaphore, #tpu.memory_space<semaphore_mem>> -> memref<1x!tpu.dma_semaphore, #tpu.memory_space<semaphore_mem>>
        %dma_start3A_615 = tpu.memref_squeeze %dma_start3A_614 : memref<1x!tpu.dma_semaphore, #tpu.memory_space<semaphore_mem>> -> memref<!tpu.dma_semaphore, #tpu.memory_space<semaphore_mem>>
        tpu.enqueue_indirect_dma source(%dma_start3A_613 : memref<1000000x64xf32, #tpu.memory_space<hbm>>) target(%dma_start3A_609 : memref<128x64xf32, #tpu.memory_space<vmem>>) offsets(%dma_start3A_610 : memref<128xi32, #tpu.memory_space<vmem>>) semaphore(%dma_start3A_615 : memref<!tpu.dma_semaphore, #tpu.memory_space<semaphore_mem>>)
      } else {
      }
      %add3A_538 = arith.constant 1 : i32
      %add3A_539 = arith.addi %scan3A_238, %add3A_538 : i32
      %lt3A_540 = arith.constant 13 : i32
      %lt3A_541 = arith.cmpi slt, %add3A_539, %lt3A_540 : i32
      %convert_element_type3A_542 = arith.extui %lt3A_541 : i1 to i32
      %cond3A_543 = arith.constant 0 : i32
      %cond3A_544 = arith.cmpi ne, %convert_element_type3A_542, %cond3A_543 : i32
      scf.if %cond3A_544 {
        %dma_wait3A_580 = arith.constant 2 : i32
        %dma_wait3A_581 = arith.constant 2 : i32
        %dma_wait3A_582 = arith.constant 0 : i32
        %dma_wait3A_583 = arith.constant 0 : i32
        %dma_wait3A_584 = tpu.memref_slice %arg6[%dma_wait3A_580, %dma_wait3A_582, %dma_wait3A_583] : memref<8x128x64xf32, #tpu.memory_space<vmem>> -> memref<1x128x64xf32, #tpu.memory_space<vmem>>
        %dma_wait3A_585 = tpu.memref_squeeze %dma_wait3A_584 : memref<1x128x64xf32, #tpu.memory_space<vmem>> -> memref<128x64xf32, #tpu.memory_space<vmem>>
        %dma_wait3A_586 = arith.constant 0 : i32
        %dma_wait3A_587 = tpu.memref_slice %arg4[%mul3A_2, %dma_wait3A_586] : memref<425984x64xf32, #tpu.memory_space<hbm>> -> memref<128x64xf32, #tpu.memory_space<hbm>>
        %dma_wait3A_588 = tpu.memref_slice %arg8[%dma_wait3A_581] : memref<8x!tpu.dma_semaphore, #tpu.memory_space<semaphore_mem>> -> memref<1x!tpu.dma_semaphore, #tpu.memory_space<semaphore_mem>>
        %dma_wait3A_589 = tpu.memref_squeeze %dma_wait3A_588 : memref<1x!tpu.dma_semaphore, #tpu.memory_space<semaphore_mem>> -> memref<!tpu.dma_semaphore, #tpu.memory_space<semaphore_mem>>
        %dma_wait3A_590 = arith.constant 0 : i32
        %dma_wait3A_591 = tpu.memref_slice %arg4[%mul3A_2, %dma_wait3A_590] : memref<425984x64xf32, #tpu.memory_space<hbm>> -> memref<128x64xf32, #tpu.memory_space<hbm>>
        %dma_wait3A_592 = arith.constant 0 : i32
        %dma_wait3A_593 = arith.constant 0 : i32
        %dma_wait3A_594 = tpu.memref_slice %arg6[%dma_wait3A_580, %dma_wait3A_592, %dma_wait3A_593] : memref<8x128x64xf32, #tpu.memory_space<vmem>> -> memref<1x128x64xf32, #tpu.memory_space<vmem>>
        %dma_wait3A_595 = tpu.memref_squeeze %dma_wait3A_594 : memref<1x128x64xf32, #tpu.memory_space<vmem>> -> memref<128x64xf32, #tpu.memory_space<vmem>>
        tpu.wait_dma2 semaphore(%dma_wait3A_589 : memref<!tpu.dma_semaphore, #tpu.memory_space<semaphore_mem>>) src(%dma_wait3A_595 : memref<128x64xf32, #tpu.memory_space<vmem>>) dst(%dma_wait3A_591 : memref<128x64xf32, #tpu.memory_space<hbm>>)
        %add3A_596 = arith.constant 1 : i32
        %add3A_597 = arith.addi %scan3A_238, %add3A_596 : i32
        %mul3A_598 = arith.constant 8 : i32
        %mul3A_599 = arith.muli %add3A_597, %mul3A_598 : i32
        %add3A_600 = arith.constant 2 : i32
        %add3A_601 = arith.addi %mul3A_599, %add3A_600 : i32
        %mul3A_602 = arith.constant 128 : i32
        %mul3A_603 = arith.muli %add3A_601, %mul3A_602 : i32
        %dma_start3A_604 = arith.constant 2 : i32
        %dma_start3A_605 = arith.constant 2 : i32
        %dma_start3A_606 = arith.constant 0 : i32
        %dma_start3A_607 = arith.constant 0 : i32
        %dma_start3A_608 = tpu.memref_slice %arg6[%dma_start3A_604, %dma_start3A_606, %dma_start3A_607] : memref<8x128x64xf32, #tpu.memory_space<vmem>> -> memref<1x128x64xf32, #tpu.memory_space<vmem>>
        %dma_start3A_609 = tpu.memref_squeeze %dma_start3A_608 : memref<1x128x64xf32, #tpu.memory_space<vmem>> -> memref<128x64xf32, #tpu.memory_space<vmem>>
        %dma_start3A_610 = tpu.memref_slice %arg5[%mul3A_603] : memref<13312xi32, #tpu.memory_space<vmem>> -> memref<128xi32, #tpu.memory_space<vmem>>
        %dma_start3A_611 = arith.constant 0 : i32
        %dma_start3A_612 = arith.constant 0 : i32
        %dma_start3A_613 = tpu.memref_slice %arg3[%dma_start3A_611, %dma_start3A_612] : memref<1000000x64xf32, #tpu.memory_space<hbm>> -> memref<1000000x64xf32, #tpu.memory_space<hbm>>
        %dma_start3A_614 = tpu.memref_slice %arg7[%dma_start3A_605] : memref<8x!tpu.dma_semaphore, #tpu.memory_space<semaphore_mem>> -> memref<1x!tpu.dma_semaphore, #tpu.memory_space<semaphore_mem>>
        %dma_start3A_615 = tpu.memref_squeeze %dma_start3A_614 : memref<1x!tpu.dma_semaphore, #tpu.memory_space<semaphore_mem>> -> memref<!tpu.dma_semaphore, #tpu.memory_space<semaphore_mem>>
        tpu.enqueue_indirect_dma source(%dma_start3A_613 : memref<1000000x64xf32, #tpu.memory_space<hbm>>) target(%dma_start3A_609 : memref<128x64xf32, #tpu.memory_space<vmem>>) offsets(%dma_start3A_610 : memref<128xi32, #tpu.memory_space<vmem>>) semaphore(%dma_start3A_615 : memref<!tpu.dma_semaphore, #tpu.memory_space<semaphore_mem>>)
      } else {
      }
      %add3A_545 = arith.constant 1 : i32
      %add3A_546 = arith.addi %scan3A_238, %add3A_545 : i32
      %lt3A_547 = arith.constant 13 : i32
      %lt3A_548 = arith.cmpi slt, %add3A_546, %lt3A_547 : i32
      %convert_element_type3A_549 = arith.extui %lt3A_548 : i1 to i32
      %cond3A_550 = arith.constant 0 : i32
      %cond3A_551 = arith.cmpi ne, %convert_element_type3A_549, %cond3A_550 : i32
      scf.if %cond3A_551 {
        %dma_wait3A_580 = arith.constant 3 : i32
        %dma_wait3A_581 = arith.constant 3 : i32
        %dma_wait3A_582 = arith.constant 0 : i32
        %dma_wait3A_583 = arith.constant 0 : i32
        %dma_wait3A_584 = tpu.memref_slice %arg6[%dma_wait3A_580, %dma_wait3A_582, %dma_wait3A_583] : memref<8x128x64xf32, #tpu.memory_space<vmem>> -> memref<1x128x64xf32, #tpu.memory_space<vmem>>
        %dma_wait3A_585 = tpu.memref_squeeze %dma_wait3A_584 : memref<1x128x64xf32, #tpu.memory_space<vmem>> -> memref<128x64xf32, #tpu.memory_space<vmem>>
        %dma_wait3A_586 = arith.constant 0 : i32
        %dma_wait3A_587 = tpu.memref_slice %arg4[%mul3A_2, %dma_wait3A_586] : memref<425984x64xf32, #tpu.memory_space<hbm>> -> memref<128x64xf32, #tpu.memory_space<hbm>>
        %dma_wait3A_588 = tpu.memref_slice %arg8[%dma_wait3A_581] : memref<8x!tpu.dma_semaphore, #tpu.memory_space<semaphore_mem>> -> memref<1x!tpu.dma_semaphore, #tpu.memory_space<semaphore_mem>>
        %dma_wait3A_589 = tpu.memref_squeeze %dma_wait3A_588 : memref<1x!tpu.dma_semaphore, #tpu.memory_space<semaphore_mem>> -> memref<!tpu.dma_semaphore, #tpu.memory_space<semaphore_mem>>
        %dma_wait3A_590 = arith.constant 0 : i32
        %dma_wait3A_591 = tpu.memref_slice %arg4[%mul3A_2, %dma_wait3A_590] : memref<425984x64xf32, #tpu.memory_space<hbm>> -> memref<128x64xf32, #tpu.memory_space<hbm>>
        %dma_wait3A_592 = arith.constant 0 : i32
        %dma_wait3A_593 = arith.constant 0 : i32
        %dma_wait3A_594 = tpu.memref_slice %arg6[%dma_wait3A_580, %dma_wait3A_592, %dma_wait3A_593] : memref<8x128x64xf32, #tpu.memory_space<vmem>> -> memref<1x128x64xf32, #tpu.memory_space<vmem>>
        %dma_wait3A_595 = tpu.memref_squeeze %dma_wait3A_594 : memref<1x128x64xf32, #tpu.memory_space<vmem>> -> memref<128x64xf32, #tpu.memory_space<vmem>>
        tpu.wait_dma2 semaphore(%dma_wait3A_589 : memref<!tpu.dma_semaphore, #tpu.memory_space<semaphore_mem>>) src(%dma_wait3A_595 : memref<128x64xf32, #tpu.memory_space<vmem>>) dst(%dma_wait3A_591 : memref<128x64xf32, #tpu.memory_space<hbm>>)
        %add3A_596 = arith.constant 1 : i32
        %add3A_597 = arith.addi %scan3A_238, %add3A_596 : i32
        %mul3A_598 = arith.constant 8 : i32
        %mul3A_599 = arith.muli %add3A_597, %mul3A_598 : i32
        %add3A_600 = arith.constant 3 : i32
        %add3A_601 = arith.addi %mul3A_599, %add3A_600 : i32
        %mul3A_602 = arith.constant 128 : i32
        %mul3A_603 = arith.muli %add3A_601, %mul3A_602 : i32
        %dma_start3A_604 = arith.constant 3 : i32
        %dma_start3A_605 = arith.constant 3 : i32
        %dma_start3A_606 = arith.constant 0 : i32
        %dma_start3A_607 = arith.constant 0 : i32
        %dma_start3A_608 = tpu.memref_slice %arg6[%dma_start3A_604, %dma_start3A_606, %dma_start3A_607] : memref<8x128x64xf32, #tpu.memory_space<vmem>> -> memref<1x128x64xf32, #tpu.memory_space<vmem>>
        %dma_start3A_609 = tpu.memref_squeeze %dma_start3A_608 : memref<1x128x64xf32, #tpu.memory_space<vmem>> -> memref<128x64xf32, #tpu.memory_space<vmem>>
        %dma_start3A_610 = tpu.memref_slice %arg5[%mul3A_603] : memref<13312xi32, #tpu.memory_space<vmem>> -> memref<128xi32, #tpu.memory_space<vmem>>
        %dma_start3A_611 = arith.constant 0 : i32
        %dma_start3A_612 = arith.constant 0 : i32
        %dma_start3A_613 = tpu.memref_slice %arg3[%dma_start3A_611, %dma_start3A_612] : memref<1000000x64xf32, #tpu.memory_space<hbm>> -> memref<1000000x64xf32, #tpu.memory_space<hbm>>
        %dma_start3A_614 = tpu.memref_slice %arg7[%dma_start3A_605] : memref<8x!tpu.dma_semaphore, #tpu.memory_space<semaphore_mem>> -> memref<1x!tpu.dma_semaphore, #tpu.memory_space<semaphore_mem>>
        %dma_start3A_615 = tpu.memref_squeeze %dma_start3A_614 : memref<1x!tpu.dma_semaphore, #tpu.memory_space<semaphore_mem>> -> memref<!tpu.dma_semaphore, #tpu.memory_space<semaphore_mem>>
        tpu.enqueue_indirect_dma source(%dma_start3A_613 : memref<1000000x64xf32, #tpu.memory_space<hbm>>) target(%dma_start3A_609 : memref<128x64xf32, #tpu.memory_space<vmem>>) offsets(%dma_start3A_610 : memref<128xi32, #tpu.memory_space<vmem>>) semaphore(%dma_start3A_615 : memref<!tpu.dma_semaphore, #tpu.memory_space<semaphore_mem>>)
      } else {
      }
      %add3A_552 = arith.constant 1 : i32
      %add3A_553 = arith.addi %scan3A_238, %add3A_552 : i32
      %lt3A_554 = arith.constant 13 : i32
      %lt3A_555 = arith.cmpi slt, %add3A_553, %lt3A_554 : i32
      %convert_element_type3A_556 = arith.extui %lt3A_555 : i1 to i32
      %cond3A_557 = arith.constant 0 : i32
      %cond3A_558 = arith.cmpi ne, %convert_element_type3A_556, %cond3A_557 : i32
      scf.if %cond3A_558 {
        %dma_wait3A_580 = arith.constant 4 : i32
        %dma_wait3A_581 = arith.constant 4 : i32
        %dma_wait3A_582 = arith.constant 0 : i32
        %dma_wait3A_583 = arith.constant 0 : i32
        %dma_wait3A_584 = tpu.memref_slice %arg6[%dma_wait3A_580, %dma_wait3A_582, %dma_wait3A_583] : memref<8x128x64xf32, #tpu.memory_space<vmem>> -> memref<1x128x64xf32, #tpu.memory_space<vmem>>
        %dma_wait3A_585 = tpu.memref_squeeze %dma_wait3A_584 : memref<1x128x64xf32, #tpu.memory_space<vmem>> -> memref<128x64xf32, #tpu.memory_space<vmem>>
        %dma_wait3A_586 = arith.constant 0 : i32
        %dma_wait3A_587 = tpu.memref_slice %arg4[%mul3A_2, %dma_wait3A_586] : memref<425984x64xf32, #tpu.memory_space<hbm>> -> memref<128x64xf32, #tpu.memory_space<hbm>>
        %dma_wait3A_588 = tpu.memref_slice %arg8[%dma_wait3A_581] : memref<8x!tpu.dma_semaphore, #tpu.memory_space<semaphore_mem>> -> memref<1x!tpu.dma_semaphore, #tpu.memory_space<semaphore_mem>>
        %dma_wait3A_589 = tpu.memref_squeeze %dma_wait3A_588 : memref<1x!tpu.dma_semaphore, #tpu.memory_space<semaphore_mem>> -> memref<!tpu.dma_semaphore, #tpu.memory_space<semaphore_mem>>
        %dma_wait3A_590 = arith.constant 0 : i32
        %dma_wait3A_591 = tpu.memref_slice %arg4[%mul3A_2, %dma_wait3A_590] : memref<425984x64xf32, #tpu.memory_space<hbm>> -> memref<128x64xf32, #tpu.memory_space<hbm>>
        %dma_wait3A_592 = arith.constant 0 : i32
        %dma_wait3A_593 = arith.constant 0 : i32
        %dma_wait3A_594 = tpu.memref_slice %arg6[%dma_wait3A_580, %dma_wait3A_592, %dma_wait3A_593] : memref<8x128x64xf32, #tpu.memory_space<vmem>> -> memref<1x128x64xf32, #tpu.memory_space<vmem>>
        %dma_wait3A_595 = tpu.memref_squeeze %dma_wait3A_594 : memref<1x128x64xf32, #tpu.memory_space<vmem>> -> memref<128x64xf32, #tpu.memory_space<vmem>>
        tpu.wait_dma2 semaphore(%dma_wait3A_589 : memref<!tpu.dma_semaphore, #tpu.memory_space<semaphore_mem>>) src(%dma_wait3A_595 : memref<128x64xf32, #tpu.memory_space<vmem>>) dst(%dma_wait3A_591 : memref<128x64xf32, #tpu.memory_space<hbm>>)
        %add3A_596 = arith.constant 1 : i32
        %add3A_597 = arith.addi %scan3A_238, %add3A_596 : i32
        %mul3A_598 = arith.constant 8 : i32
        %mul3A_599 = arith.muli %add3A_597, %mul3A_598 : i32
        %add3A_600 = arith.constant 4 : i32
        %add3A_601 = arith.addi %mul3A_599, %add3A_600 : i32
        %mul3A_602 = arith.constant 128 : i32
        %mul3A_603 = arith.muli %add3A_601, %mul3A_602 : i32
        %dma_start3A_604 = arith.constant 4 : i32
        %dma_start3A_605 = arith.constant 4 : i32
        %dma_start3A_606 = arith.constant 0 : i32
        %dma_start3A_607 = arith.constant 0 : i32
        %dma_start3A_608 = tpu.memref_slice %arg6[%dma_start3A_604, %dma_start3A_606, %dma_start3A_607] : memref<8x128x64xf32, #tpu.memory_space<vmem>> -> memref<1x128x64xf32, #tpu.memory_space<vmem>>
        %dma_start3A_609 = tpu.memref_squeeze %dma_start3A_608 : memref<1x128x64xf32, #tpu.memory_space<vmem>> -> memref<128x64xf32, #tpu.memory_space<vmem>>
        %dma_start3A_610 = tpu.memref_slice %arg5[%mul3A_603] : memref<13312xi32, #tpu.memory_space<vmem>> -> memref<128xi32, #tpu.memory_space<vmem>>
        %dma_start3A_611 = arith.constant 0 : i32
        %dma_start3A_612 = arith.constant 0 : i32
        %dma_start3A_613 = tpu.memref_slice %arg3[%dma_start3A_611, %dma_start3A_612] : memref<1000000x64xf32, #tpu.memory_space<hbm>> -> memref<1000000x64xf32, #tpu.memory_space<hbm>>
        %dma_start3A_614 = tpu.memref_slice %arg7[%dma_start3A_605] : memref<8x!tpu.dma_semaphore, #tpu.memory_space<semaphore_mem>> -> memref<1x!tpu.dma_semaphore, #tpu.memory_space<semaphore_mem>>
        %dma_start3A_615 = tpu.memref_squeeze %dma_start3A_614 : memref<1x!tpu.dma_semaphore, #tpu.memory_space<semaphore_mem>> -> memref<!tpu.dma_semaphore, #tpu.memory_space<semaphore_mem>>
        tpu.enqueue_indirect_dma source(%dma_start3A_613 : memref<1000000x64xf32, #tpu.memory_space<hbm>>) target(%dma_start3A_609 : memref<128x64xf32, #tpu.memory_space<vmem>>) offsets(%dma_start3A_610 : memref<128xi32, #tpu.memory_space<vmem>>) semaphore(%dma_start3A_615 : memref<!tpu.dma_semaphore, #tpu.memory_space<semaphore_mem>>)
      } else {
      }
      %add3A_559 = arith.constant 1 : i32
      %add3A_560 = arith.addi %scan3A_238, %add3A_559 : i32
      %lt3A_561 = arith.constant 13 : i32
      %lt3A_562 = arith.cmpi slt, %add3A_560, %lt3A_561 : i32
      %convert_element_type3A_563 = arith.extui %lt3A_562 : i1 to i32
      %cond3A_564 = arith.constant 0 : i32
      %cond3A_565 = arith.cmpi ne, %convert_element_type3A_563, %cond3A_564 : i32
      scf.if %cond3A_565 {
        %dma_wait3A_580 = arith.constant 5 : i32
        %dma_wait3A_581 = arith.constant 5 : i32
        %dma_wait3A_582 = arith.constant 0 : i32
        %dma_wait3A_583 = arith.constant 0 : i32
        %dma_wait3A_584 = tpu.memref_slice %arg6[%dma_wait3A_580, %dma_wait3A_582, %dma_wait3A_583] : memref<8x128x64xf32, #tpu.memory_space<vmem>> -> memref<1x128x64xf32, #tpu.memory_space<vmem>>
        %dma_wait3A_585 = tpu.memref_squeeze %dma_wait3A_584 : memref<1x128x64xf32, #tpu.memory_space<vmem>> -> memref<128x64xf32, #tpu.memory_space<vmem>>
        %dma_wait3A_586 = arith.constant 0 : i32
        %dma_wait3A_587 = tpu.memref_slice %arg4[%mul3A_2, %dma_wait3A_586] : memref<425984x64xf32, #tpu.memory_space<hbm>> -> memref<128x64xf32, #tpu.memory_space<hbm>>
        %dma_wait3A_588 = tpu.memref_slice %arg8[%dma_wait3A_581] : memref<8x!tpu.dma_semaphore, #tpu.memory_space<semaphore_mem>> -> memref<1x!tpu.dma_semaphore, #tpu.memory_space<semaphore_mem>>
        %dma_wait3A_589 = tpu.memref_squeeze %dma_wait3A_588 : memref<1x!tpu.dma_semaphore, #tpu.memory_space<semaphore_mem>> -> memref<!tpu.dma_semaphore, #tpu.memory_space<semaphore_mem>>
        %dma_wait3A_590 = arith.constant 0 : i32
        %dma_wait3A_591 = tpu.memref_slice %arg4[%mul3A_2, %dma_wait3A_590] : memref<425984x64xf32, #tpu.memory_space<hbm>> -> memref<128x64xf32, #tpu.memory_space<hbm>>
        %dma_wait3A_592 = arith.constant 0 : i32
        %dma_wait3A_593 = arith.constant 0 : i32
        %dma_wait3A_594 = tpu.memref_slice %arg6[%dma_wait3A_580, %dma_wait3A_592, %dma_wait3A_593] : memref<8x128x64xf32, #tpu.memory_space<vmem>> -> memref<1x128x64xf32, #tpu.memory_space<vmem>>
        %dma_wait3A_595 = tpu.memref_squeeze %dma_wait3A_594 : memref<1x128x64xf32, #tpu.memory_space<vmem>> -> memref<128x64xf32, #tpu.memory_space<vmem>>
        tpu.wait_dma2 semaphore(%dma_wait3A_589 : memref<!tpu.dma_semaphore, #tpu.memory_space<semaphore_mem>>) src(%dma_wait3A_595 : memref<128x64xf32, #tpu.memory_space<vmem>>) dst(%dma_wait3A_591 : memref<128x64xf32, #tpu.memory_space<hbm>>)
        %add3A_596 = arith.constant 1 : i32
        %add3A_597 = arith.addi %scan3A_238, %add3A_596 : i32
        %mul3A_598 = arith.constant 8 : i32
        %mul3A_599 = arith.muli %add3A_597, %mul3A_598 : i32
        %add3A_600 = arith.constant 5 : i32
        %add3A_601 = arith.addi %mul3A_599, %add3A_600 : i32
        %mul3A_602 = arith.constant 128 : i32
        %mul3A_603 = arith.muli %add3A_601, %mul3A_602 : i32
        %dma_start3A_604 = arith.constant 5 : i32
        %dma_start3A_605 = arith.constant 5 : i32
        %dma_start3A_606 = arith.constant 0 : i32
        %dma_start3A_607 = arith.constant 0 : i32
        %dma_start3A_608 = tpu.memref_slice %arg6[%dma_start3A_604, %dma_start3A_606, %dma_start3A_607] : memref<8x128x64xf32, #tpu.memory_space<vmem>> -> memref<1x128x64xf32, #tpu.memory_space<vmem>>
        %dma_start3A_609 = tpu.memref_squeeze %dma_start3A_608 : memref<1x128x64xf32, #tpu.memory_space<vmem>> -> memref<128x64xf32, #tpu.memory_space<vmem>>
        %dma_start3A_610 = tpu.memref_slice %arg5[%mul3A_603] : memref<13312xi32, #tpu.memory_space<vmem>> -> memref<128xi32, #tpu.memory_space<vmem>>
        %dma_start3A_611 = arith.constant 0 : i32
        %dma_start3A_612 = arith.constant 0 : i32
        %dma_start3A_613 = tpu.memref_slice %arg3[%dma_start3A_611, %dma_start3A_612] : memref<1000000x64xf32, #tpu.memory_space<hbm>> -> memref<1000000x64xf32, #tpu.memory_space<hbm>>
        %dma_start3A_614 = tpu.memref_slice %arg7[%dma_start3A_605] : memref<8x!tpu.dma_semaphore, #tpu.memory_space<semaphore_mem>> -> memref<1x!tpu.dma_semaphore, #tpu.memory_space<semaphore_mem>>
        %dma_start3A_615 = tpu.memref_squeeze %dma_start3A_614 : memref<1x!tpu.dma_semaphore, #tpu.memory_space<semaphore_mem>> -> memref<!tpu.dma_semaphore, #tpu.memory_space<semaphore_mem>>
        tpu.enqueue_indirect_dma source(%dma_start3A_613 : memref<1000000x64xf32, #tpu.memory_space<hbm>>) target(%dma_start3A_609 : memref<128x64xf32, #tpu.memory_space<vmem>>) offsets(%dma_start3A_610 : memref<128xi32, #tpu.memory_space<vmem>>) semaphore(%dma_start3A_615 : memref<!tpu.dma_semaphore, #tpu.memory_space<semaphore_mem>>)
      } else {
      }
      %add3A_566 = arith.constant 1 : i32
      %add3A_567 = arith.addi %scan3A_238, %add3A_566 : i32
      %lt3A_568 = arith.constant 13 : i32
      %lt3A_569 = arith.cmpi slt, %add3A_567, %lt3A_568 : i32
      %convert_element_type3A_570 = arith.extui %lt3A_569 : i1 to i32
      %cond3A_571 = arith.constant 0 : i32
      %cond3A_572 = arith.cmpi ne, %convert_element_type3A_570, %cond3A_571 : i32
      scf.if %cond3A_572 {
        %dma_wait3A_580 = arith.constant 6 : i32
        %dma_wait3A_581 = arith.constant 6 : i32
        %dma_wait3A_582 = arith.constant 0 : i32
        %dma_wait3A_583 = arith.constant 0 : i32
        %dma_wait3A_584 = tpu.memref_slice %arg6[%dma_wait3A_580, %dma_wait3A_582, %dma_wait3A_583] : memref<8x128x64xf32, #tpu.memory_space<vmem>> -> memref<1x128x64xf32, #tpu.memory_space<vmem>>
        %dma_wait3A_585 = tpu.memref_squeeze %dma_wait3A_584 : memref<1x128x64xf32, #tpu.memory_space<vmem>> -> memref<128x64xf32, #tpu.memory_space<vmem>>
        %dma_wait3A_586 = arith.constant 0 : i32
        %dma_wait3A_587 = tpu.memref_slice %arg4[%mul3A_2, %dma_wait3A_586] : memref<425984x64xf32, #tpu.memory_space<hbm>> -> memref<128x64xf32, #tpu.memory_space<hbm>>
        %dma_wait3A_588 = tpu.memref_slice %arg8[%dma_wait3A_581] : memref<8x!tpu.dma_semaphore, #tpu.memory_space<semaphore_mem>> -> memref<1x!tpu.dma_semaphore, #tpu.memory_space<semaphore_mem>>
        %dma_wait3A_589 = tpu.memref_squeeze %dma_wait3A_588 : memref<1x!tpu.dma_semaphore, #tpu.memory_space<semaphore_mem>> -> memref<!tpu.dma_semaphore, #tpu.memory_space<semaphore_mem>>
        %dma_wait3A_590 = arith.constant 0 : i32
        %dma_wait3A_591 = tpu.memref_slice %arg4[%mul3A_2, %dma_wait3A_590] : memref<425984x64xf32, #tpu.memory_space<hbm>> -> memref<128x64xf32, #tpu.memory_space<hbm>>
        %dma_wait3A_592 = arith.constant 0 : i32
        %dma_wait3A_593 = arith.constant 0 : i32
        %dma_wait3A_594 = tpu.memref_slice %arg6[%dma_wait3A_580, %dma_wait3A_592, %dma_wait3A_593] : memref<8x128x64xf32, #tpu.memory_space<vmem>> -> memref<1x128x64xf32, #tpu.memory_space<vmem>>
        %dma_wait3A_595 = tpu.memref_squeeze %dma_wait3A_594 : memref<1x128x64xf32, #tpu.memory_space<vmem>> -> memref<128x64xf32, #tpu.memory_space<vmem>>
        tpu.wait_dma2 semaphore(%dma_wait3A_589 : memref<!tpu.dma_semaphore, #tpu.memory_space<semaphore_mem>>) src(%dma_wait3A_595 : memref<128x64xf32, #tpu.memory_space<vmem>>) dst(%dma_wait3A_591 : memref<128x64xf32, #tpu.memory_space<hbm>>)
        %add3A_596 = arith.constant 1 : i32
        %add3A_597 = arith.addi %scan3A_238, %add3A_596 : i32
        %mul3A_598 = arith.constant 8 : i32
        %mul3A_599 = arith.muli %add3A_597, %mul3A_598 : i32
        %add3A_600 = arith.constant 6 : i32
        %add3A_601 = arith.addi %mul3A_599, %add3A_600 : i32
        %mul3A_602 = arith.constant 128 : i32
        %mul3A_603 = arith.muli %add3A_601, %mul3A_602 : i32
        %dma_start3A_604 = arith.constant 6 : i32
        %dma_start3A_605 = arith.constant 6 : i32
        %dma_start3A_606 = arith.constant 0 : i32
        %dma_start3A_607 = arith.constant 0 : i32
        %dma_start3A_608 = tpu.memref_slice %arg6[%dma_start3A_604, %dma_start3A_606, %dma_start3A_607] : memref<8x128x64xf32, #tpu.memory_space<vmem>> -> memref<1x128x64xf32, #tpu.memory_space<vmem>>
        %dma_start3A_609 = tpu.memref_squeeze %dma_start3A_608 : memref<1x128x64xf32, #tpu.memory_space<vmem>> -> memref<128x64xf32, #tpu.memory_space<vmem>>
        %dma_start3A_610 = tpu.memref_slice %arg5[%mul3A_603] : memref<13312xi32, #tpu.memory_space<vmem>> -> memref<128xi32, #tpu.memory_space<vmem>>
        %dma_start3A_611 = arith.constant 0 : i32
        %dma_start3A_612 = arith.constant 0 : i32
        %dma_start3A_613 = tpu.memref_slice %arg3[%dma_start3A_611, %dma_start3A_612] : memref<1000000x64xf32, #tpu.memory_space<hbm>> -> memref<1000000x64xf32, #tpu.memory_space<hbm>>
        %dma_start3A_614 = tpu.memref_slice %arg7[%dma_start3A_605] : memref<8x!tpu.dma_semaphore, #tpu.memory_space<semaphore_mem>> -> memref<1x!tpu.dma_semaphore, #tpu.memory_space<semaphore_mem>>
        %dma_start3A_615 = tpu.memref_squeeze %dma_start3A_614 : memref<1x!tpu.dma_semaphore, #tpu.memory_space<semaphore_mem>> -> memref<!tpu.dma_semaphore, #tpu.memory_space<semaphore_mem>>
        tpu.enqueue_indirect_dma source(%dma_start3A_613 : memref<1000000x64xf32, #tpu.memory_space<hbm>>) target(%dma_start3A_609 : memref<128x64xf32, #tpu.memory_space<vmem>>) offsets(%dma_start3A_610 : memref<128xi32, #tpu.memory_space<vmem>>) semaphore(%dma_start3A_615 : memref<!tpu.dma_semaphore, #tpu.memory_space<semaphore_mem>>)
      } else {
      }
      %add3A_573 = arith.constant 1 : i32
      %add3A_574 = arith.addi %scan3A_238, %add3A_573 : i32
      %lt3A_575 = arith.constant 13 : i32
      %lt3A_576 = arith.cmpi slt, %add3A_574, %lt3A_575 : i32
      %convert_element_type3A_577 = arith.extui %lt3A_576 : i1 to i32
      %cond3A_578 = arith.constant 0 : i32
      %cond3A_579 = arith.cmpi ne, %convert_element_type3A_577, %cond3A_578 : i32
      scf.if %cond3A_579 {
        %dma_wait3A_580 = arith.constant 7 : i32
        %dma_wait3A_581 = arith.constant 7 : i32
        %dma_wait3A_582 = arith.constant 0 : i32
        %dma_wait3A_583 = arith.constant 0 : i32
        %dma_wait3A_584 = tpu.memref_slice %arg6[%dma_wait3A_580, %dma_wait3A_582, %dma_wait3A_583] : memref<8x128x64xf32, #tpu.memory_space<vmem>> -> memref<1x128x64xf32, #tpu.memory_space<vmem>>
        %dma_wait3A_585 = tpu.memref_squeeze %dma_wait3A_584 : memref<1x128x64xf32, #tpu.memory_space<vmem>> -> memref<128x64xf32, #tpu.memory_space<vmem>>
        %dma_wait3A_586 = arith.constant 0 : i32
        %dma_wait3A_587 = tpu.memref_slice %arg4[%mul3A_2, %dma_wait3A_586] : memref<425984x64xf32, #tpu.memory_space<hbm>> -> memref<128x64xf32, #tpu.memory_space<hbm>>
        %dma_wait3A_588 = tpu.memref_slice %arg8[%dma_wait3A_581] : memref<8x!tpu.dma_semaphore, #tpu.memory_space<semaphore_mem>> -> memref<1x!tpu.dma_semaphore, #tpu.memory_space<semaphore_mem>>
        %dma_wait3A_589 = tpu.memref_squeeze %dma_wait3A_588 : memref<1x!tpu.dma_semaphore, #tpu.memory_space<semaphore_mem>> -> memref<!tpu.dma_semaphore, #tpu.memory_space<semaphore_mem>>
        %dma_wait3A_590 = arith.constant 0 : i32
        %dma_wait3A_591 = tpu.memref_slice %arg4[%mul3A_2, %dma_wait3A_590] : memref<425984x64xf32, #tpu.memory_space<hbm>> -> memref<128x64xf32, #tpu.memory_space<hbm>>
        %dma_wait3A_592 = arith.constant 0 : i32
        %dma_wait3A_593 = arith.constant 0 : i32
        %dma_wait3A_594 = tpu.memref_slice %arg6[%dma_wait3A_580, %dma_wait3A_592, %dma_wait3A_593] : memref<8x128x64xf32, #tpu.memory_space<vmem>> -> memref<1x128x64xf32, #tpu.memory_space<vmem>>
        %dma_wait3A_595 = tpu.memref_squeeze %dma_wait3A_594 : memref<1x128x64xf32, #tpu.memory_space<vmem>> -> memref<128x64xf32, #tpu.memory_space<vmem>>
        tpu.wait_dma2 semaphore(%dma_wait3A_589 : memref<!tpu.dma_semaphore, #tpu.memory_space<semaphore_mem>>) src(%dma_wait3A_595 : memref<128x64xf32, #tpu.memory_space<vmem>>) dst(%dma_wait3A_591 : memref<128x64xf32, #tpu.memory_space<hbm>>)
        %add3A_596 = arith.constant 1 : i32
        %add3A_597 = arith.addi %scan3A_238, %add3A_596 : i32
        %mul3A_598 = arith.constant 8 : i32
        %mul3A_599 = arith.muli %add3A_597, %mul3A_598 : i32
        %add3A_600 = arith.constant 7 : i32
        %add3A_601 = arith.addi %mul3A_599, %add3A_600 : i32
        %mul3A_602 = arith.constant 128 : i32
        %mul3A_603 = arith.muli %add3A_601, %mul3A_602 : i32
        %dma_start3A_604 = arith.constant 7 : i32
        %dma_start3A_605 = arith.constant 7 : i32
        %dma_start3A_606 = arith.constant 0 : i32
        %dma_start3A_607 = arith.constant 0 : i32
        %dma_start3A_608 = tpu.memref_slice %arg6[%dma_start3A_604, %dma_start3A_606, %dma_start3A_607] : memref<8x128x64xf32, #tpu.memory_space<vmem>> -> memref<1x128x64xf32, #tpu.memory_space<vmem>>
        %dma_start3A_609 = tpu.memref_squeeze %dma_start3A_608 : memref<1x128x64xf32, #tpu.memory_space<vmem>> -> memref<128x64xf32, #tpu.memory_space<vmem>>
        %dma_start3A_610 = tpu.memref_slice %arg5[%mul3A_603] : memref<13312xi32, #tpu.memory_space<vmem>> -> memref<128xi32, #tpu.memory_space<vmem>>
        %dma_start3A_611 = arith.constant 0 : i32
        %dma_start3A_612 = arith.constant 0 : i32
        %dma_start3A_613 = tpu.memref_slice %arg3[%dma_start3A_611, %dma_start3A_612] : memref<1000000x64xf32, #tpu.memory_space<hbm>> -> memref<1000000x64xf32, #tpu.memory_space<hbm>>
        %dma_start3A_614 = tpu.memref_slice %arg7[%dma_start3A_605] : memref<8x!tpu.dma_semaphore, #tpu.memory_space<semaphore_mem>> -> memref<1x!tpu.dma_semaphore, #tpu.memory_space<semaphore_mem>>
        %dma_start3A_615 = tpu.memref_squeeze %dma_start3A_614 : memref<1x!tpu.dma_semaphore, #tpu.memory_space<semaphore_mem>> -> memref<!tpu.dma_semaphore, #tpu.memory_space<semaphore_mem>>
        tpu.enqueue_indirect_dma source(%dma_start3A_613 : memref<1000000x64xf32, #tpu.memory_space<hbm>>) target(%dma_start3A_609 : memref<128x64xf32, #tpu.memory_space<vmem>>) offsets(%dma_start3A_610 : memref<128xi32, #tpu.memory_space<vmem>>) semaphore(%dma_start3A_615 : memref<!tpu.dma_semaphore, #tpu.memory_space<semaphore_mem>>)
      } else {
      }
    }
    %scan3A_110 = arith.constant 13 : i32
    %dma_wait3A = arith.constant 0 : i32
    %dma_wait3A_111 = arith.constant 0 : i32
    %dma_wait3A_112 = arith.constant 0 : i32
    %dma_wait3A_113 = arith.constant 0 : i32
    %dma_wait3A_114 = tpu.memref_slice %arg6[%dma_wait3A, %dma_wait3A_112, %dma_wait3A_113] : memref<8x128x64xf32, #tpu.memory_space<vmem>> -> memref<1x128x64xf32, #tpu.memory_space<vmem>>
    %dma_wait3A_115 = tpu.memref_squeeze %dma_wait3A_114 : memref<1x128x64xf32, #tpu.memory_space<vmem>> -> memref<128x64xf32, #tpu.memory_space<vmem>>
    %dma_wait3A_116 = arith.constant 0 : i32
    %dma_wait3A_117 = tpu.memref_slice %arg4[%mul3A_2, %dma_wait3A_116] : memref<425984x64xf32, #tpu.memory_space<hbm>> -> memref<128x64xf32, #tpu.memory_space<hbm>>
    %dma_wait3A_118 = tpu.memref_slice %arg8[%dma_wait3A_111] : memref<8x!tpu.dma_semaphore, #tpu.memory_space<semaphore_mem>> -> memref<1x!tpu.dma_semaphore, #tpu.memory_space<semaphore_mem>>
    %dma_wait3A_119 = tpu.memref_squeeze %dma_wait3A_118 : memref<1x!tpu.dma_semaphore, #tpu.memory_space<semaphore_mem>> -> memref<!tpu.dma_semaphore, #tpu.memory_space<semaphore_mem>>
    %dma_wait3A_120 = arith.constant 0 : i32
    %dma_wait3A_121 = tpu.memref_slice %arg4[%mul3A_2, %dma_wait3A_120] : memref<425984x64xf32, #tpu.memory_space<hbm>> -> memref<128x64xf32, #tpu.memory_space<hbm>>
    %dma_wait3A_122 = arith.constant 0 : i32
    %dma_wait3A_123 = arith.constant 0 : i32
    %dma_wait3A_124 = tpu.memref_slice %arg6[%dma_wait3A, %dma_wait3A_122, %dma_wait3A_123] : memref<8x128x64xf32, #tpu.memory_space<vmem>> -> memref<1x128x64xf32, #tpu.memory_space<vmem>>
    %dma_wait3A_125 = tpu.memref_squeeze %dma_wait3A_124 : memref<1x128x64xf32, #tpu.memory_space<vmem>> -> memref<128x64xf32, #tpu.memory_space<vmem>>
    tpu.wait_dma2 semaphore(%dma_wait3A_119 : memref<!tpu.dma_semaphore, #tpu.memory_space<semaphore_mem>>) src(%dma_wait3A_125 : memref<128x64xf32, #tpu.memory_space<vmem>>) dst(%dma_wait3A_121 : memref<128x64xf32, #tpu.memory_space<hbm>>)
    %dma_wait3A_126 = arith.constant 1 : i32
    %dma_wait3A_127 = arith.constant 1 : i32
    %dma_wait3A_128 = arith.constant 0 : i32
    %dma_wait3A_129 = arith.constant 0 : i32
    %dma_wait3A_130 = tpu.memref_slice %arg6[%dma_wait3A_126, %dma_wait3A_128, %dma_wait3A_129] : memref<8x128x64xf32, #tpu.memory_space<vmem>> -> memref<1x128x64xf32, #tpu.memory_space<vmem>>
    %dma_wait3A_131 = tpu.memref_squeeze %dma_wait3A_130 : memref<1x128x64xf32, #tpu.memory_space<vmem>> -> memref<128x64xf32, #tpu.memory_space<vmem>>
    %dma_wait3A_132 = arith.constant 0 : i32
    %dma_wait3A_133 = tpu.memref_slice %arg4[%mul3A_2, %dma_wait3A_132] : memref<425984x64xf32, #tpu.memory_space<hbm>> -> memref<128x64xf32, #tpu.memory_space<hbm>>
    %dma_wait3A_134 = tpu.memref_slice %arg8[%dma_wait3A_127] : memref<8x!tpu.dma_semaphore, #tpu.memory_space<semaphore_mem>> -> memref<1x!tpu.dma_semaphore, #tpu.memory_space<semaphore_mem>>
    %dma_wait3A_135 = tpu.memref_squeeze %dma_wait3A_134 : memref<1x!tpu.dma_semaphore, #tpu.memory_space<semaphore_mem>> -> memref<!tpu.dma_semaphore, #tpu.memory_space<semaphore_mem>>
    %dma_wait3A_136 = arith.constant 0 : i32
    %dma_wait3A_137 = tpu.memref_slice %arg4[%mul3A_2, %dma_wait3A_136] : memref<425984x64xf32, #tpu.memory_space<hbm>> -> memref<128x64xf32, #tpu.memory_space<hbm>>
    %dma_wait3A_138 = arith.constant 0 : i32
    %dma_wait3A_139 = arith.constant 0 : i32
    %dma_wait3A_140 = tpu.memref_slice %arg6[%dma_wait3A_126, %dma_wait3A_138, %dma_wait3A_139] : memref<8x128x64xf32, #tpu.memory_space<vmem>> -> memref<1x128x64xf32, #tpu.memory_space<vmem>>
    %dma_wait3A_141 = tpu.memref_squeeze %dma_wait3A_140 : memref<1x128x64xf32, #tpu.memory_space<vmem>> -> memref<128x64xf32, #tpu.memory_space<vmem>>
    tpu.wait_dma2 semaphore(%dma_wait3A_135 : memref<!tpu.dma_semaphore, #tpu.memory_space<semaphore_mem>>) src(%dma_wait3A_141 : memref<128x64xf32, #tpu.memory_space<vmem>>) dst(%dma_wait3A_137 : memref<128x64xf32, #tpu.memory_space<hbm>>)
    %dma_wait3A_142 = arith.constant 2 : i32
    %dma_wait3A_143 = arith.constant 2 : i32
    %dma_wait3A_144 = arith.constant 0 : i32
    %dma_wait3A_145 = arith.constant 0 : i32
    %dma_wait3A_146 = tpu.memref_slice %arg6[%dma_wait3A_142, %dma_wait3A_144, %dma_wait3A_145] : memref<8x128x64xf32, #tpu.memory_space<vmem>> -> memref<1x128x64xf32, #tpu.memory_space<vmem>>
    %dma_wait3A_147 = tpu.memref_squeeze %dma_wait3A_146 : memref<1x128x64xf32, #tpu.memory_space<vmem>> -> memref<128x64xf32, #tpu.memory_space<vmem>>
    %dma_wait3A_148 = arith.constant 0 : i32
    %dma_wait3A_149 = tpu.memref_slice %arg4[%mul3A_2, %dma_wait3A_148] : memref<425984x64xf32, #tpu.memory_space<hbm>> -> memref<128x64xf32, #tpu.memory_space<hbm>>
    %dma_wait3A_150 = tpu.memref_slice %arg8[%dma_wait3A_143] : memref<8x!tpu.dma_semaphore, #tpu.memory_space<semaphore_mem>> -> memref<1x!tpu.dma_semaphore, #tpu.memory_space<semaphore_mem>>
    %dma_wait3A_151 = tpu.memref_squeeze %dma_wait3A_150 : memref<1x!tpu.dma_semaphore, #tpu.memory_space<semaphore_mem>> -> memref<!tpu.dma_semaphore, #tpu.memory_space<semaphore_mem>>
    %dma_wait3A_152 = arith.constant 0 : i32
    %dma_wait3A_153 = tpu.memref_slice %arg4[%mul3A_2, %dma_wait3A_152] : memref<425984x64xf32, #tpu.memory_space<hbm>> -> memref<128x64xf32, #tpu.memory_space<hbm>>
    %dma_wait3A_154 = arith.constant 0 : i32
    %dma_wait3A_155 = arith.constant 0 : i32
    %dma_wait3A_156 = tpu.memref_slice %arg6[%dma_wait3A_142, %dma_wait3A_154, %dma_wait3A_155] : memref<8x128x64xf32, #tpu.memory_space<vmem>> -> memref<1x128x64xf32, #tpu.memory_space<vmem>>
    %dma_wait3A_157 = tpu.memref_squeeze %dma_wait3A_156 : memref<1x128x64xf32, #tpu.memory_space<vmem>> -> memref<128x64xf32, #tpu.memory_space<vmem>>
    tpu.wait_dma2 semaphore(%dma_wait3A_151 : memref<!tpu.dma_semaphore, #tpu.memory_space<semaphore_mem>>) src(%dma_wait3A_157 : memref<128x64xf32, #tpu.memory_space<vmem>>) dst(%dma_wait3A_153 : memref<128x64xf32, #tpu.memory_space<hbm>>)
    %dma_wait3A_158 = arith.constant 3 : i32
    %dma_wait3A_159 = arith.constant 3 : i32
    %dma_wait3A_160 = arith.constant 0 : i32
    %dma_wait3A_161 = arith.constant 0 : i32
    %dma_wait3A_162 = tpu.memref_slice %arg6[%dma_wait3A_158, %dma_wait3A_160, %dma_wait3A_161] : memref<8x128x64xf32, #tpu.memory_space<vmem>> -> memref<1x128x64xf32, #tpu.memory_space<vmem>>
    %dma_wait3A_163 = tpu.memref_squeeze %dma_wait3A_162 : memref<1x128x64xf32, #tpu.memory_space<vmem>> -> memref<128x64xf32, #tpu.memory_space<vmem>>
    %dma_wait3A_164 = arith.constant 0 : i32
    %dma_wait3A_165 = tpu.memref_slice %arg4[%mul3A_2, %dma_wait3A_164] : memref<425984x64xf32, #tpu.memory_space<hbm>> -> memref<128x64xf32, #tpu.memory_space<hbm>>
    %dma_wait3A_166 = tpu.memref_slice %arg8[%dma_wait3A_159] : memref<8x!tpu.dma_semaphore, #tpu.memory_space<semaphore_mem>> -> memref<1x!tpu.dma_semaphore, #tpu.memory_space<semaphore_mem>>
    %dma_wait3A_167 = tpu.memref_squeeze %dma_wait3A_166 : memref<1x!tpu.dma_semaphore, #tpu.memory_space<semaphore_mem>> -> memref<!tpu.dma_semaphore, #tpu.memory_space<semaphore_mem>>
    %dma_wait3A_168 = arith.constant 0 : i32
    %dma_wait3A_169 = tpu.memref_slice %arg4[%mul3A_2, %dma_wait3A_168] : memref<425984x64xf32, #tpu.memory_space<hbm>> -> memref<128x64xf32, #tpu.memory_space<hbm>>
    %dma_wait3A_170 = arith.constant 0 : i32
    %dma_wait3A_171 = arith.constant 0 : i32
    %dma_wait3A_172 = tpu.memref_slice %arg6[%dma_wait3A_158, %dma_wait3A_170, %dma_wait3A_171] : memref<8x128x64xf32, #tpu.memory_space<vmem>> -> memref<1x128x64xf32, #tpu.memory_space<vmem>>
    %dma_wait3A_173 = tpu.memref_squeeze %dma_wait3A_172 : memref<1x128x64xf32, #tpu.memory_space<vmem>> -> memref<128x64xf32, #tpu.memory_space<vmem>>
    tpu.wait_dma2 semaphore(%dma_wait3A_167 : memref<!tpu.dma_semaphore, #tpu.memory_space<semaphore_mem>>) src(%dma_wait3A_173 : memref<128x64xf32, #tpu.memory_space<vmem>>) dst(%dma_wait3A_169 : memref<128x64xf32, #tpu.memory_space<hbm>>)
    %dma_wait3A_174 = arith.constant 4 : i32
    %dma_wait3A_175 = arith.constant 4 : i32
    %dma_wait3A_176 = arith.constant 0 : i32
    %dma_wait3A_177 = arith.constant 0 : i32
    %dma_wait3A_178 = tpu.memref_slice %arg6[%dma_wait3A_174, %dma_wait3A_176, %dma_wait3A_177] : memref<8x128x64xf32, #tpu.memory_space<vmem>> -> memref<1x128x64xf32, #tpu.memory_space<vmem>>
    %dma_wait3A_179 = tpu.memref_squeeze %dma_wait3A_178 : memref<1x128x64xf32, #tpu.memory_space<vmem>> -> memref<128x64xf32, #tpu.memory_space<vmem>>
    %dma_wait3A_180 = arith.constant 0 : i32
    %dma_wait3A_181 = tpu.memref_slice %arg4[%mul3A_2, %dma_wait3A_180] : memref<425984x64xf32, #tpu.memory_space<hbm>> -> memref<128x64xf32, #tpu.memory_space<hbm>>
    %dma_wait3A_182 = tpu.memref_slice %arg8[%dma_wait3A_175] : memref<8x!tpu.dma_semaphore, #tpu.memory_space<semaphore_mem>> -> memref<1x!tpu.dma_semaphore, #tpu.memory_space<semaphore_mem>>
    %dma_wait3A_183 = tpu.memref_squeeze %dma_wait3A_182 : memref<1x!tpu.dma_semaphore, #tpu.memory_space<semaphore_mem>> -> memref<!tpu.dma_semaphore, #tpu.memory_space<semaphore_mem>>
    %dma_wait3A_184 = arith.constant 0 : i32
    %dma_wait3A_185 = tpu.memref_slice %arg4[%mul3A_2, %dma_wait3A_184] : memref<425984x64xf32, #tpu.memory_space<hbm>> -> memref<128x64xf32, #tpu.memory_space<hbm>>
    %dma_wait3A_186 = arith.constant 0 : i32
    %dma_wait3A_187 = arith.constant 0 : i32
    %dma_wait3A_188 = tpu.memref_slice %arg6[%dma_wait3A_174, %dma_wait3A_186, %dma_wait3A_187] : memref<8x128x64xf32, #tpu.memory_space<vmem>> -> memref<1x128x64xf32, #tpu.memory_space<vmem>>
    %dma_wait3A_189 = tpu.memref_squeeze %dma_wait3A_188 : memref<1x128x64xf32, #tpu.memory_space<vmem>> -> memref<128x64xf32, #tpu.memory_space<vmem>>
    tpu.wait_dma2 semaphore(%dma_wait3A_183 : memref<!tpu.dma_semaphore, #tpu.memory_space<semaphore_mem>>) src(%dma_wait3A_189 : memref<128x64xf32, #tpu.memory_space<vmem>>) dst(%dma_wait3A_185 : memref<128x64xf32, #tpu.memory_space<hbm>>)
    %dma_wait3A_190 = arith.constant 5 : i32
    %dma_wait3A_191 = arith.constant 5 : i32
    %dma_wait3A_192 = arith.constant 0 : i32
    %dma_wait3A_193 = arith.constant 0 : i32
    %dma_wait3A_194 = tpu.memref_slice %arg6[%dma_wait3A_190, %dma_wait3A_192, %dma_wait3A_193] : memref<8x128x64xf32, #tpu.memory_space<vmem>> -> memref<1x128x64xf32, #tpu.memory_space<vmem>>
    %dma_wait3A_195 = tpu.memref_squeeze %dma_wait3A_194 : memref<1x128x64xf32, #tpu.memory_space<vmem>> -> memref<128x64xf32, #tpu.memory_space<vmem>>
    %dma_wait3A_196 = arith.constant 0 : i32
    %dma_wait3A_197 = tpu.memref_slice %arg4[%mul3A_2, %dma_wait3A_196] : memref<425984x64xf32, #tpu.memory_space<hbm>> -> memref<128x64xf32, #tpu.memory_space<hbm>>
    %dma_wait3A_198 = tpu.memref_slice %arg8[%dma_wait3A_191] : memref<8x!tpu.dma_semaphore, #tpu.memory_space<semaphore_mem>> -> memref<1x!tpu.dma_semaphore, #tpu.memory_space<semaphore_mem>>
    %dma_wait3A_199 = tpu.memref_squeeze %dma_wait3A_198 : memref<1x!tpu.dma_semaphore, #tpu.memory_space<semaphore_mem>> -> memref<!tpu.dma_semaphore, #tpu.memory_space<semaphore_mem>>
    %dma_wait3A_200 = arith.constant 0 : i32
    %dma_wait3A_201 = tpu.memref_slice %arg4[%mul3A_2, %dma_wait3A_200] : memref<425984x64xf32, #tpu.memory_space<hbm>> -> memref<128x64xf32, #tpu.memory_space<hbm>>
    %dma_wait3A_202 = arith.constant 0 : i32
    %dma_wait3A_203 = arith.constant 0 : i32
    %dma_wait3A_204 = tpu.memref_slice %arg6[%dma_wait3A_190, %dma_wait3A_202, %dma_wait3A_203] : memref<8x128x64xf32, #tpu.memory_space<vmem>> -> memref<1x128x64xf32, #tpu.memory_space<vmem>>
    %dma_wait3A_205 = tpu.memref_squeeze %dma_wait3A_204 : memref<1x128x64xf32, #tpu.memory_space<vmem>> -> memref<128x64xf32, #tpu.memory_space<vmem>>
    tpu.wait_dma2 semaphore(%dma_wait3A_199 : memref<!tpu.dma_semaphore, #tpu.memory_space<semaphore_mem>>) src(%dma_wait3A_205 : memref<128x64xf32, #tpu.memory_space<vmem>>) dst(%dma_wait3A_201 : memref<128x64xf32, #tpu.memory_space<hbm>>)
    %dma_wait3A_206 = arith.constant 6 : i32
    %dma_wait3A_207 = arith.constant 6 : i32
    %dma_wait3A_208 = arith.constant 0 : i32
    %dma_wait3A_209 = arith.constant 0 : i32
    %dma_wait3A_210 = tpu.memref_slice %arg6[%dma_wait3A_206, %dma_wait3A_208, %dma_wait3A_209] : memref<8x128x64xf32, #tpu.memory_space<vmem>> -> memref<1x128x64xf32, #tpu.memory_space<vmem>>
    %dma_wait3A_211 = tpu.memref_squeeze %dma_wait3A_210 : memref<1x128x64xf32, #tpu.memory_space<vmem>> -> memref<128x64xf32, #tpu.memory_space<vmem>>
    %dma_wait3A_212 = arith.constant 0 : i32
    %dma_wait3A_213 = tpu.memref_slice %arg4[%mul3A_2, %dma_wait3A_212] : memref<425984x64xf32, #tpu.memory_space<hbm>> -> memref<128x64xf32, #tpu.memory_space<hbm>>
    %dma_wait3A_214 = tpu.memref_slice %arg8[%dma_wait3A_207] : memref<8x!tpu.dma_semaphore, #tpu.memory_space<semaphore_mem>> -> memref<1x!tpu.dma_semaphore, #tpu.memory_space<semaphore_mem>>
    %dma_wait3A_215 = tpu.memref_squeeze %dma_wait3A_214 : memref<1x!tpu.dma_semaphore, #tpu.memory_space<semaphore_mem>> -> memref<!tpu.dma_semaphore, #tpu.memory_space<semaphore_mem>>
    %dma_wait3A_216 = arith.constant 0 : i32
    %dma_wait3A_217 = tpu.memref_slice %arg4[%mul3A_2, %dma_wait3A_216] : memref<425984x64xf32, #tpu.memory_space<hbm>> -> memref<128x64xf32, #tpu.memory_space<hbm>>
    %dma_wait3A_218 = arith.constant 0 : i32
    %dma_wait3A_219 = arith.constant 0 : i32
    %dma_wait3A_220 = tpu.memref_slice %arg6[%dma_wait3A_206, %dma_wait3A_218, %dma_wait3A_219] : memref<8x128x64xf32, #tpu.memory_space<vmem>> -> memref<1x128x64xf32, #tpu.memory_space<vmem>>
    %dma_wait3A_221 = tpu.memref_squeeze %dma_wait3A_220 : memref<1x128x64xf32, #tpu.memory_space<vmem>> -> memref<128x64xf32, #tpu.memory_space<vmem>>
    tpu.wait_dma2 semaphore(%dma_wait3A_215 : memref<!tpu.dma_semaphore, #tpu.memory_space<semaphore_mem>>) src(%dma_wait3A_221 : memref<128x64xf32, #tpu.memory_space<vmem>>) dst(%dma_wait3A_217 : memref<128x64xf32, #tpu.memory_space<hbm>>)
    %dma_wait3A_222 = arith.constant 7 : i32
    %dma_wait3A_223 = arith.constant 7 : i32
    %dma_wait3A_224 = arith.constant 0 : i32
    %dma_wait3A_225 = arith.constant 0 : i32
    %dma_wait3A_226 = tpu.memref_slice %arg6[%dma_wait3A_222, %dma_wait3A_224, %dma_wait3A_225] : memref<8x128x64xf32, #tpu.memory_space<vmem>> -> memref<1x128x64xf32, #tpu.memory_space<vmem>>
    %dma_wait3A_227 = tpu.memref_squeeze %dma_wait3A_226 : memref<1x128x64xf32, #tpu.memory_space<vmem>> -> memref<128x64xf32, #tpu.memory_space<vmem>>
    %dma_wait3A_228 = arith.constant 0 : i32
    %dma_wait3A_229 = tpu.memref_slice %arg4[%mul3A_2, %dma_wait3A_228] : memref<425984x64xf32, #tpu.memory_space<hbm>> -> memref<128x64xf32, #tpu.memory_space<hbm>>
    %dma_wait3A_230 = tpu.memref_slice %arg8[%dma_wait3A_223] : memref<8x!tpu.dma_semaphore, #tpu.memory_space<semaphore_mem>> -> memref<1x!tpu.dma_semaphore, #tpu.memory_space<semaphore_mem>>
    %dma_wait3A_231 = tpu.memref_squeeze %dma_wait3A_230 : memref<1x!tpu.dma_semaphore, #tpu.memory_space<semaphore_mem>> -> memref<!tpu.dma_semaphore, #tpu.memory_space<semaphore_mem>>
    %dma_wait3A_232 = arith.constant 0 : i32
    %dma_wait3A_233 = tpu.memref_slice %arg4[%mul3A_2, %dma_wait3A_232] : memref<425984x64xf32, #tpu.memory_space<hbm>> -> memref<128x64xf32, #tpu.memory_space<hbm>>
    %dma_wait3A_234 = arith.constant 0 : i32
    %dma_wait3A_235 = arith.constant 0 : i32
    %dma_wait3A_236 = tpu.memref_slice %arg6[%dma_wait3A_222, %dma_wait3A_234, %dma_wait3A_235] : memref<8x128x64xf32, #tpu.memory_space<vmem>> -> memref<1x128x64xf32, #tpu.memory_space<vmem>>
    %dma_wait3A_237 = tpu.memref_squeeze %dma_wait3A_236 : memref<1x128x64xf32, #tpu.memory_space<vmem>> -> memref<128x64xf32, #tpu.memory_space<vmem>>
    tpu.wait_dma2 semaphore(%dma_wait3A_231 : memref<!tpu.dma_semaphore, #tpu.memory_space<semaphore_mem>>) src(%dma_wait3A_237 : memref<128x64xf32, #tpu.memory_space<vmem>>) dst(%dma_wait3A_233 : memref<128x64xf32, #tpu.memory_space<hbm>>)
    return
  }
}

</mosaic_0001>

<sc_bundles>
// kernel: kernel.3.cloned.1.call-start
scs
__scs_entry_jumppad:
0x0: {  	(pc) =	sbr.rel $0x88, $3  }
0x1: {  	(tag) =	ssettag $0x0;
	lr =	simm.s32 $0x1  }
0x2: {  	[smem:$0x3F9F] =	sst lr;
	_ =	strace $0xD0000000  }
0x3: {  	_ = 	snop  }
0x4: {  	_ = 	snop  }
0x5: {  	_ = 	snop  }
0x6: {  	_ = 	snop  }
0x7: {  	_ = 	snop  }
__scs_overlays_trampoline_lowered:
0x8: {  	[smem:$0x3FAE] =	sst s0  }
0x9: {  	[smem:$0x3FAF] =	sst s1  }
0xa: {  	[smem:$0x3FB0] =	sst s2  }
0xb: {  	[smem:$0x3FB1] =	sst s3  }
0xc: {  	[smem:$0x3FB2] =	sst s4  }
0xd: {  	[smem:$0x3FB3] =	sst s5  }
0xe: {  	[smem:$0x3FB4] =	sst s6  }
0xf: {  	[smem:$0x3FB5] =	sst s7  }
0x10: {  	[smem:$0x3FB6] =	sst s8  }
0x11: {  	[smem:$0x3FB7] =	sst s9;
	s0 =	simm.s32 @!p0 $0x0  }
0x12: {  	s1 =	sld [smem:$0x3F9D];
	s0 =	simm.s32 @p0 $0x1  }
0x13: {  	[smem:$0x3FB8] =	sst s0;
	s0 =	simm.s32 @!p1 $0x0  }
0x14: {  	s2 =	sld [smem:$0x3F9C];
	s0 =	simm.s32 @p1 $0x1  }
0x15: {  	[smem:$0x3FB9] =	sst s0;
	s0 =	simm.s32 @!p2 $0x0  }
0x16: {  	s3 =	sld [smem:$0x3FDB];
	s0 =	simm.s32 @p2 $0x1  }
0x17: {  	s4 =	simm.s32 $0x1BF5;
	[smem:$0x3FBB] =	sst s0  }
0x18: {  	s0 =	sld [smem:$0x3F9E];
	_ =	swait.ge [sflag:s4], $0x0  }
0x19: {  	s7 =	sld [smem:$0x3F9F]  }
0x1a: {  	s8 =	sadd.s32 $0xFFFFE003, lr  }
0x1b: {  	s9 =	sadd.s32 $0xFFFFFEF7, lr;
	s5 =	simm.s32 $0xFFFFFFFF;
	p2 =	slt.u32 s8, $0xFFFFF086  }
0x1c: {  	p1 =	slt.u32 s9, $0xF7A;
	s5 =	simm.s32 @!p2 $0x0  }
0x1d: {  	s5 =	simm.s32 @p1 $0x1;
	p0 =	seq.s32 s7, s2  }
0x1e: {  	s7 =	smul.u32 @!p0 $0xF7A, s2;
	p2 =	seq.s32 @!p0 s5, $0x0  }
0x1f: {  	s9 =	smul.u32 $0xF7A, s1;
	s8 =	simm.s32 @!p0 $0x1BF5;
	p2 =	por !p2, p0  }
0x20: {  	[sflag:s8] =	ssyncset.s32 @!p0 $0xFFFFF086;
	s6 =	sadd.s32 @!p0 s3, s7;
	s7 =	simm.s32 @!p0 $0x108  }
0x21: {  	s3 =	sadd.s32 s3, s9;
	s6 =	sadd.s32 @!p0 $0x88, s6;
	s7 =	simm.s32 @p2 $0x1082  }
0x22: {  	[simem:s7], [sflag:s8] =	dma.local @!p0 [hbm:s6], $0xF7A  }
0x23: {  	s9 =	sor.u32 $0xD0000000, s2;
	s6 =	simm.s32 $0x108;
	_ =	swait.ge @!p0 [sflag:s8], $0x0  }
0x24: {  	s3 =	sadd.s32 $0x88, s3;
	s6 =	simm.s32 @!p1 $0x1082;
	[sflag:s4] =	ssyncset.s32 $0xFFFFF086  }
0x25: {  	[simem:s6], [sflag:s4] =	dma.local [hbm:s3], $0xF7A  }
0x26: {  	[smem:$0x3F9F] =	sst s1;
	(tag) =	ssettag s2;
	_ =	strace s9  }
0x27: {  	s1 =	sld [smem:$0x3FAF]  }
0x28: {  	s2 =	sld [smem:$0x3FB0]  }
0x29: {  	s4 =	sld [smem:$0x3FB2]  }
0x2a: {  	p0 =	seq.s32 s5, $0x0;
	s5 =	sld [smem:$0x3FB3]  }
0x2b: {  	s6 =	sld [smem:$0x3FB4]  }
0x2c: {  	s7 =	sld [smem:$0x3FB5]  }
0x2d: {  	s3 =	simm.s32 $0x108;
	s8 =	sld [smem:$0x3FB6]  }
0x2e: {  	s3 =	simm.s32 @!p0 $0x1082;
	s9 =	sld [smem:$0x3FB7]  }
0x2f: {  	lr =	sadd.s32 s0, s3;
	s0 =	sld [smem:$0x3FAE]  }
0x30: {  	s3 =	sld [smem:$0x3FB1]  }
0x31: {  	[smem:$0x3FBA] =	sst s10  }
0x32: {  	s10 =	sld [smem:$0x3FB8];
	_ =	sdelay $0x3  }
0x33: {  	p0 =	seq.s32 s10, $0x1;
	s10 =	sld [smem:$0x3FBA];
	_ =	sdelay $0x3  }
0x34: {  	[smem:$0x3FBA] =	sst s10  }
0x35: {  	s10 =	sld [smem:$0x3FB9];
	_ =	sdelay $0x3  }
0x36: {  	p1 =	seq.s32 s10, $0x1;
	s10 =	sld [smem:$0x3FBA];
	_ =	sdelay $0x3  }
0x37: {  	[smem:$0x3FBA] =	sst s10  }
0x38: {  	s10 =	sld [smem:$0x3FBB]  }
0x39: {  	_ = 	snop;
	(pc) =	sbr.ind lr, $3  }
0x3a: {  	_ = 	snop  }
0x3b: {  	_ = 	snop  }
0x3c: {  	p2 =	seq.s32 s10, $0x1;
	s10 =	sld [smem:$0x3FBA]  }
0x3d: {  	_ =	shalt  }
0x3e: {  	_ =	shalt  }
0x3f: {  	_ =	shalt  }
0x40: {  	_ =	shalt  }
0x41: {  	_ =	shalt  }
0x42: {  	_ =	shalt  }
0x43: {  	_ =	shalt  }
0x44: {  	_ =	shalt  }
0x45: {  	_ =	shalt  }
0x46: {  	_ =	shalt  }
0x47: {  	_ =	shalt  }
0x48: {  	_ =	shalt  }
0x49: {  	_ =	shalt  }
0x4a: {  	_ =	shalt  }
0x4b: {  	_ =	shalt  }
0x4c: {  	_ =	shalt  }
0x4d: {  	_ =	shalt  }
0x4e: {  	_ =	shalt  }
0x4f: {  	_ =	shalt  }
0x50: {  	_ =	shalt  }
0x51: {  	_ =	shalt  }
0x52: {  	_ =	shalt  }
0x53: {  	_ =	shalt  }
0x54: {  	_ =	shalt  }
0x55: {  	_ =	shalt  }
0x56: {  	_ =	shalt  }
0x57: {  	_ =	shalt  }
0x58: {  	_ =	shalt  }
0x59: {  	_ =	shalt  }
0x5a: {  	_ =	shalt  }
0x5b: {  	_ =	shalt  }
0x5c: {  	_ =	shalt  }
0x5d: {  	_ =	shalt  }
0x5e: {  	_ =	shalt  }
0x5f: {  	_ =	shalt  }
0x60: {  	_ =	shalt  }
0x61: {  	_ =	shalt  }
0x62: {  	_ =	shalt  }
0x63: {  	_ =	shalt  }
0x64: {  	_ =	shalt  }
0x65: {  	_ =	shalt  }
0x66: {  	_ =	shalt  }
0x67: {  	_ =	shalt  }
0x68: {  	_ =	shalt  }
0x69: {  	_ =	shalt  }
0x6a: {  	_ =	shalt  }
0x6b: {  	_ =	shalt  }
0x6c: {  	_ =	shalt  }
0x6d: {  	_ =	shalt  }
0x6e: {  	_ =	shalt  }
0x6f: {  	_ =	shalt  }
0x70: {  	_ =	shalt  }
0x71: {  	_ =	shalt  }
0x72: {  	_ =	shalt  }
0x73: {  	_ =	shalt  }
0x74: {  	_ =	shalt  }
0x75: {  	_ =	shalt  }
0x76: {  	_ =	shalt  }
0x77: {  	_ =	shalt  }
0x78: {  	_ =	shalt  }
0x79: {  	_ =	shalt  }
0x7a: {  	_ =	shalt  }
0x7b: {  	_ =	shalt  }
0x7c: {  	_ =	shalt  }
0x7d: {  	_ =	shalt  }
0x7e: {  	_ =	shalt  }
0x7f: {  	_ =	shalt  }
0x80: {  	_ =	shalt  }
0x81: {  	_ =	shalt  }
0x82: {  	_ =	shalt  }
0x83: {  	_ =	shalt  }
0x84: {  	_ =	shalt  }
0x85: {  	_ =	shalt  }
0x86: {  	_ =	shalt  }
0x87: {  	_ =	shalt  }
.Lfunc_end0:
.L_simem_size_0:
called_computation.1_lowered:
.L_overlay_start_0:
0x88: {  	s2 =	sld [smem:$0x3FD9]  }
0x89: {  	s3 =	sld [smem:$0x3FFE];
	_ =	sdelay $0x1  }
0x8a: {  	s1 =	srdreg.scid  }
0x8b: {  	s0 =	sand.u32 $0x1, s1  }
0x8c: {  	s17 =	sshll.u32 s0, $0xA;
	s2 =	sadd.s32 s3, s2  }
0x8d: {  	s2 =	sadd.s32 s2, s17  }
0x8e: {  	[smem:$0x3FC6] =	sst s2  }
0x8f: {  	_ = 	snop  }
0x90: {  	s2 =	sld [smem:$0x3FD0];
	(tm) =	ssettm $0x1  }
0x91: {  	s18 =	sld [smem:$0x3FFB];
	_ =	sdelay $0x3  }
0x92: {  	_ =	strace s18  }
0x93: {  	s3 =	sld [smem:$0x3FFC];
	_ =	sdelay $0x3  }
0x94: {  	_ =	strace s3  }
0x95: {  	s3 =	sld [smem:$0x3FFD];
	_ =	sdelay $0x3  }
0x96: {  	_ =	strace s3  }
0x97: {  	_ =	strace $0x8FFFFFFF  }
0x98: {  	s19 =	sld [smem:$0x3FDB];
	_ =	sdelay $0x1  }
0x99: {  	s4 =	simm.s32 $_scs_section_size  }
0x9a: {  	s5 =	simm.s32 $_size__tile_overlayer_lowered;
	s6 =	simm.s32 $_tile_overlayer_lowered  }
0x9b: {  	s22 =	simm.s32 $0x1BFF;
	s21 =	sshll.u32 s6, $0x1;
	s3 =	sadd.s32 s4, s19  }
0x9c: {  	s7 =	simm.s32 $0x0;
	s20 =	sshll.u32 s5, $0x1;
	s5 =	sadd.s32 s21, s3  }
0x9d: {  	[timem:s7], [sflag:s22] =	dma.local [hbm:s5], s20  }
0x9e: {  	_ =	swait.ge [sflag:s22], s20  }
0x9f: {  	s4 =	ssub.s32 $0x0, s20;
	[sflag:s22] =	ssyncset.done $0x0  }
0xa0: {  	[sflag:s22] =	ssyncadd.s32 s4;
	_ =	sdelay $0x1  }
0xa1: {  	s23 =	simm.s32 $0x1B8B  }
0xa2: {  	_ =	swait.ge [sflag:s23], $0x1  }
0xa3: {  	[sflag:s23] =	ssyncset.done $0x0  }
0xa4: {  	s25 =	simm.s32 $0x1B8E;
	s24 =	sld [smem:$0x3FFE];
	[sflag:s23] =	ssyncadd.s32 $0xFFFFFFFF  }
0xa5: {  	s26 =	simm.s32 $execute0_lowered;
	[smem:$0x3FD2] =	sst s25  }
0xa6: {  	s5 =	sshll.u32 s26, $0x1;
	_ =	strace $0x80000046;
	[dreg:$0x1] =	wrdreg $0xFFFFFFFF  }
0xa7: {  	s28 =	simm.s32 $_size_execute0_lowered;
	s3 =	sadd.s32 s3, s5;
	[dreg:$0x0] =	wrdreg $0x0  }
0xa8: {  	s5 =	sshll.u32 s28, $0x1;
	[dreg:$0x2] =	wrdreg s3  }
0xa9: {  	[dreg:$0x3] =	wrdreg s5  }
0xaa: {  	[dreg:$0x4] =	wrdreg $0xC0  }
0xab: {  	_ =	task [dreg:s7], $0x5FFFF  }
0xac: {  	[dreg:$0x1] =	wrdreg $0xFFFFFFFF  }
0xad: {  	[dreg:$0x0] =	wrdreg $0x60  }
0xae: {  	[dreg:$0x2] =	wrdreg s24  }
0xaf: {  	[dreg:$0x3] =	wrdreg s2  }
0xb0: {  	[dreg:$0x4] =	wrdreg $0x9  }
0xb1: {  	_ =	task.clear_ibuf [dreg:s7], $0x5FFFF;
	_ =	strace $0x90000046  }
0xb2: {  	s29 =	simm.s32 $0x9;
	_ =	strace $0x80000048  }
0xb3: {  	_ =	swait.ge [sflag:s29], $0x1  }
0xb4: {  	[sflag:s29] =	ssyncadd.s32 $0xFFFFFFFF  }
0xb5: {  	_ =	strace $0x90000048  }
0xb6: {  	_ =	sfence  }
0xb7: {  	s30 =	sld [smem:$0x0];
	_ =	sdelay $0x2  }
0xb8: {  	s31 =	sshll.u32 s1, $0xD;
	s1 =	sshrl.u32 s1, $0x2  }
0xb9: {  	s3 =	sand.u32 $0x4000, s31;
	s1 =	sadd.s32 s1, s30  }
0xba: {  	s0 =	sor.u32 s3, s0;
	s1 =	sshll.u32 s1, $0x11  }
0xbb: {  	s0 =	sor.u32 s1, s0  }
0xbc: {  	s0 =	sadd.s32 $0x8F2B, s0  }
0xbd: {  	[sflag:s0] =	ssyncadd.remote.s32 $0x1  }
0xbe: {  	_ =	sfence.sel $0xFFFF  }
0xbf: {  	[dreg:$0x0] =	wrdreg $0xFFFFFFFF;
	(pc) =	sbr.abs _section_cstart, $3  }
0xc0: {  	[dreg:$0x1] =	wrdreg $0xFFFFFFFF  }
0xc1: {  	_ =	task.clear_ibuf [dreg:s7], $0x2FFFF;
	_ =	strace $0x9FFFFFFF  }
0xc2: {  	(tm) =	ssettm $0x7FFFFFFF  }
0xc3: {  	_ =	shalt  }
tec
execute0_lowered:
.L_overlay_start_1:
0x0: {  	(tag) =	ssettag $0x1  }
0x1: {  	s0 =	srdreg.scid;
	s3 =	rddreg [dreg:$0x0]  }
0x2: {  	s6 =	stileid.u32;
	s4 =	rddreg [dreg:$0x1]  }
0x3: {  	s2 =	simm.s32 $0x0;
	s16 =	simm.s32 $0x3400;
	s17 =	simm.s32 $0x5400  }
0x4: {  	s19 =	simm.s32 $0x7400;
	s21 =	simm.s32 $0x9400;
	s23 =	simm.s32 $0xB400  }
0x5: {  	s28 =	simm.s32 $0xF400;
	s30 =	simm.s32 $0x11400;
	s31 =	simm.s32 $0x1  }
0x6: {  	s18 =	simm.s32 $0x4;
	s20 =	simm.s32 $0x5;
	s5 =	smul.u32 $0x1A0000, s6  }
0x7: {  	s0 =	sand.u32 $0x1, s0;
	s1 =	sshll.u32 s6, $0x1;
	s6 =	smul.u32 $0x6800, s6  }
0x8: {  	s22 =	simm.s32 $0x6;
	s14 =	simm.s32 $0x0;
	s7 =	smul.u32 $0x3400, s0  }
0x9: {  	s1 =	sor.u32 s0, s1;
	s8 =	ssub.s32 $0x2, s0;
	s0 =	smul.u32 $0xD0000, s0  }
0xa: {  	[smem:$0x7FF] =	sst s2;
	s1 =	smul.u32 $0x3400, s1;
	s9 =	sshrl.u32 s8, $0x1  }
0xb: {  	_ =	strace $0x80000047;
	s6 =	sadd.s32 s7, s6;
	s24 =	ssub.s32 s8, s9  }
0xc: {  	s0 =	sadd.s32 s0, s5;
	s1 =	sshrl.u32 s1, $0x3;
	s25 =	sshll.u32 s6, $0x3  }
0xd: {  	s0 =	sshrl.u32 s0, $0x3;
	s29 =	smax.u32 s24, $0x1;
	s24 =	simm.s32 $0x7  }
0xe: {  	s1 =	sadd.s32 s1, s3;
	s3 =	sadd.s32 $0xF42E00, s3;
	s26 =	sadd.s32 s25, s4  }
0xf: {  	[dreg:$0x4] =	wrdreg s29;
	s6 =	sadd.s32 s0, s4;
	s25 =	simm.s32 $0xD400  }
0x10: {  	s0 =	simm.s32 $0x3;
	s1 =	sadd.s32 $0xA00, s1;
	s7 =	sadd.s32 $0x1C00, s26  }
0x11: {  	s8 =	sadd.s32 $0x1800, s26;
	s9 =	sadd.s32 $0x1400, s26;
	s10 =	sadd.s32 $0x1000, s26  }
0x12: {  	s11 =	sadd.s32 $0xC00, s26;
	s12 =	sadd.s32 $0x800, s26;
	s13 =	sadd.s32 $0x400, s26  }
0x13: {  	s26 =	simm.s32 $0x8;
	[dreg:$0x3] =	wrdreg s1;
	s1 =	simm.s32 $0x2  }
.LBB2_1:
0x14: {  	[dreg:$0x5] =	wrdreg s14  }
0x15: {  	s4 =	rddreg [dreg:$0x3];
	s14 =	simm.s32 $0x11  }
0x16: {  	[tilespmem:s2], [sflag:$0x11] =	stream.linear.gather [hbm4b:s4+s2], $0x3400, $0x38;
	[tilespmem:$0x13400] =	vst v63  }
0x17: {  	_ =	swait.ge [sflag:s14], $0x3400  }
0x18: {  	[sflag:s14] =	ssyncset.done $0x0  }
0x19: {  	s4 =	simm.s32 $0x80;
	[sflag:s14] =	ssyncadd.s32 $0xFFFFCC00  }
0x1a: {  	[tilespmem:s16], [sflag:$0x1] =	stream.indirect.gather [hbm4b:s3+s4], $0x40, s2, s4, $0xb8;
	[tilespmem:$0x13400] =	vst v63  }
0x1b: {  	_ = 	snop  }
0x1c: {  	[tilespmem:s17], [sflag:$0x2] =	stream.indirect.gather [hbm4b:s3+s4], $0x40, s4, s4, $0xb8;
	[tilespmem:$0x13400] =	vst v63  }
0x1d: {  	s5 =	simm.s32 $0x100  }
0x1e: {  	[tilespmem:s19], [sflag:$0x3] =	stream.indirect.gather [hbm4b:s3+s4], $0x40, s5, s4, $0xb8;
	[tilespmem:$0x13400] =	vst v63  }
0x1f: {  	s15 =	simm.s32 $0x180  }
0x20: {  	[tilespmem:s21], [sflag:$0x4] =	stream.indirect.gather [hbm4b:s3+s4], $0x40, s15, s4, $0xb8;
	[tilespmem:$0x13400] =	vst v63  }
0x21: {  	s29 =	simm.s32 $0x200  }
0x22: {  	[tilespmem:s23], [sflag:$0x5] =	stream.indirect.gather [hbm4b:s3+s4], $0x40, s29, s4, $0xb8;
	[tilespmem:$0x13400] =	vst v63  }
0x23: {  	s14 =	simm.s32 $0x280  }
0x24: {  	[tilespmem:s25], [sflag:$0x6] =	stream.indirect.gather [hbm4b:s3+s4], $0x40, s14, s4, $0xb8;
	[tilespmem:$0x13400] =	vst v63  }
0x25: {  	s15 =	simm.s32 $0x300  }
0x26: {  	[tilespmem:s28], [sflag:$0x7] =	stream.indirect.gather [hbm4b:s3+s4], $0x40, s15, s4, $0xb8;
	[tilespmem:$0x13400] =	vst v63  }
0x27: {  	s29 =	simm.s32 $0x380  }
0x28: {  	[tilespmem:s30], [sflag:$0x8] =	stream.indirect.gather [hbm4b:s3+s4], $0x40, s29, s4, $0xb8;
	[tilespmem:$0x13400] =	vst v63  }
0x29: {  	s5 =	simm.s32 $0x0;
	s4 =	simm.s32 $0x780  }
.LBB2_2:
0x2a: {  	_ =	swait.ge [sflag:s31], $0x2000  }
0x2b: {  	[sflag:s31] =	ssyncset.done $0x0  }
0x2c: {  	s14 =	sadd.s32 s5, s6;
	[sflag:s31] =	ssyncadd.s32 $0xFFFFE000  }
0x2d: {  	[hbm4b:s14+s2] =	stream.linear.scatter [tilespmem:s16], [sflag:$0x9], $0x2000, $0x38;
	[tilespmem:$0x13400] =	vst v63  }
0x2e: {  	_ =	swait.ge [sflag:s1], $0x2000  }
0x2f: {  	[sflag:s1] =	ssyncset.done $0x0  }
0x30: {  	s29 =	sadd.s32 s5, s13;
	[sflag:s1] =	ssyncadd.s32 $0xFFFFE000  }
0x31: {  	[hbm4b:s29+s2] =	stream.linear.scatter [tilespmem:s17], [sflag:$0xA], $0x2000, $0x38;
	[tilespmem:$0x13400] =	vst v63  }
0x32: {  	_ =	swait.ge [sflag:s0], $0x2000  }
0x33: {  	[sflag:s0] =	ssyncset.done $0x0  }
0x34: {  	s15 =	sadd.s32 s5, s12;
	[sflag:s0] =	ssyncadd.s32 $0xFFFFE000  }
0x35: {  	[hbm4b:s15+s2] =	stream.linear.scatter [tilespmem:s19], [sflag:$0xB], $0x2000, $0x38;
	[tilespmem:$0x13400] =	vst v63  }
0x36: {  	_ =	swait.ge [sflag:s18], $0x2000  }
0x37: {  	[sflag:s18] =	ssyncset.done $0x0  }
0x38: {  	s29 =	sadd.s32 s5, s11;
	[sflag:s18] =	ssyncadd.s32 $0xFFFFE000  }
0x39: {  	[hbm4b:s29+s2] =	stream.linear.scatter [tilespmem:s21], [sflag:$0xC], $0x2000, $0x38;
	[tilespmem:$0x13400] =	vst v63  }
0x3a: {  	_ =	swait.ge [sflag:s20], $0x2000  }
0x3b: {  	[sflag:s20] =	ssyncset.done $0x0  }
0x3c: {  	s15 =	sadd.s32 s5, s10;
	[sflag:s20] =	ssyncadd.s32 $0xFFFFE000  }
0x3d: {  	[hbm4b:s15+s2] =	stream.linear.scatter [tilespmem:s23], [sflag:$0xD], $0x2000, $0x38;
	[tilespmem:$0x13400] =	vst v63  }
0x3e: {  	_ =	swait.ge [sflag:s22], $0x2000  }
0x3f: {  	[sflag:s22] =	ssyncset.done $0x0  }
0x40: {  	s29 =	sadd.s32 s5, s9;
	[sflag:s22] =	ssyncadd.s32 $0xFFFFE000  }
0x41: {  	[hbm4b:s29+s2] =	stream.linear.scatter [tilespmem:s25], [sflag:$0xE], $0x2000, $0x38;
	[tilespmem:$0x13400] =	vst v63  }
0x42: {  	_ =	swait.ge [sflag:s24], $0x2000  }
0x43: {  	[sflag:s24] =	ssyncset.done $0x0  }
0x44: {  	s15 =	sadd.s32 s5, s8;
	[sflag:s24] =	ssyncadd.s32 $0xFFFFE000  }
0x45: {  	[hbm4b:s15+s2] =	stream.linear.scatter [tilespmem:s28], [sflag:$0xF], $0x2000, $0x38;
	[tilespmem:$0x13400] =	vst v63  }
0x46: {  	_ =	swait.ge [sflag:s26], $0x2000  }
0x47: {  	p0 =	seq.s32 s5, $0x18000;
	[sflag:s26] =	ssyncset.done $0x0  }
0x48: {  	s14 =	simm.s32 @!p0 $0x9;
	s29 =	sadd.s32 s5, s7;
	[sflag:s26] =	ssyncadd.s32 $0xFFFFE000  }
0x49: {  	[hbm4b:s29+s2] =	stream.linear.scatter [tilespmem:s30], [sflag:$0x10], $0x2000, $0x38;
	[tilespmem:$0x13400] =	vst v63  }
0x4a: {  	_ =	swait.ge @!p0 [sflag:s14], $0x2000  }
0x4b: {  	s15 =	simm.s32 @!p0 $0x80;
	[sflag:s14] =	ssyncset.done @!p0 $0x0  }
0x4c: {  	s29 =	simm.s32 @!p0 $0x3400;
	[sflag:s14] =	ssyncadd.s32 @!p0 $0xFFFFE000;
	s14 =	sadd.s32 @!p0 $0xFFFFFC80, s4  }
0x4d: {  	[tilespmem:s29], [sflag:$0x1] =	stream.indirect.gather @!p0 [hbm4b:s3+s15], $0x40, s14, s15, $0xb8;
	[tilespmem:$0x13400] =	vst v63  }
0x4e: {  	s14 =	simm.s32 @!p0 $0xA  }
0x4f: {  	_ =	swait.ge @!p0 [sflag:s14], $0x2000  }
0x50: {  	[sflag:s14] =	ssyncset.done @!p0 $0x0  }
0x51: {  	s29 =	simm.s32 @!p0 $0x5400;
	[sflag:s14] =	ssyncadd.s32 @!p0 $0xFFFFE000;
	s14 =	sadd.s32 @!p0 $0xFFFFFD00, s4  }
0x52: {  	[tilespmem:s29], [sflag:$0x2] =	stream.indirect.gather @!p0 [hbm4b:s3+s15], $0x40, s14, s15, $0xb8;
	[tilespmem:$0x13400] =	vst v63  }
0x53: {  	s14 =	simm.s32 @!p0 $0xB  }
0x54: {  	_ =	swait.ge @!p0 [sflag:s14], $0x2000  }
0x55: {  	[sflag:s14] =	ssyncset.done @!p0 $0x0  }
0x56: {  	s29 =	simm.s32 @!p0 $0x7400;
	[sflag:s14] =	ssyncadd.s32 @!p0 $0xFFFFE000;
	s14 =	sadd.s32 @!p0 $0xFFFFFD80, s4  }
0x57: {  	[tilespmem:s29], [sflag:$0x3] =	stream.indirect.gather @!p0 [hbm4b:s3+s15], $0x40, s14, s15, $0xb8;
	[tilespmem:$0x13400] =	vst v63  }
0x58: {  	s14 =	simm.s32 @!p0 $0xC  }
0x59: {  	_ =	swait.ge @!p0 [sflag:s14], $0x2000  }
0x5a: {  	[sflag:s14] =	ssyncset.done @!p0 $0x0  }
0x5b: {  	s29 =	simm.s32 @!p0 $0x9400;
	[sflag:s14] =	ssyncadd.s32 @!p0 $0xFFFFE000;
	s14 =	sadd.s32 @!p0 $0xFFFFFE00, s4  }
0x5c: {  	[tilespmem:s29], [sflag:$0x4] =	stream.indirect.gather @!p0 [hbm4b:s3+s15], $0x40, s14, s15, $0xb8;
	[tilespmem:$0x13400] =	vst v63  }
0x5d: {  	s14 =	simm.s32 @!p0 $0xD  }
0x5e: {  	_ =	swait.ge @!p0 [sflag:s14], $0x2000  }
0x5f: {  	[sflag:s14] =	ssyncset.done @!p0 $0x0  }
0x60: {  	s29 =	simm.s32 @!p0 $0xB400;
	[sflag:s14] =	ssyncadd.s32 @!p0 $0xFFFFE000;
	s14 =	sadd.s32 @!p0 $0xFFFFFE80, s4  }
0x61: {  	[tilespmem:s29], [sflag:$0x5] =	stream.indirect.gather @!p0 [hbm4b:s3+s15], $0x40, s14, s15, $0xb8;
	[tilespmem:$0x13400] =	vst v63  }
0x62: {  	s14 =	simm.s32 @!p0 $0xE  }
0x63: {  	_ =	swait.ge @!p0 [sflag:s14], $0x2000  }
0x64: {  	[sflag:s14] =	ssyncset.done @!p0 $0x0  }
0x65: {  	s29 =	simm.s32 @!p0 $0xD400;
	[sflag:s14] =	ssyncadd.s32 @!p0 $0xFFFFE000;
	s14 =	sadd.s32 @!p0 $0xFFFFFF00, s4  }
0x66: {  	[tilespmem:s29], [sflag:$0x6] =	stream.indirect.gather @!p0 [hbm4b:s3+s15], $0x40, s14, s15, $0xb8;
	[tilespmem:$0x13400] =	vst v63  }
0x67: {  	s14 =	simm.s32 @!p0 $0xF  }
0x68: {  	s5 =	sadd.s32 @!p0 $0x2000, s5;
	_ =	swait.ge @!p0 [sflag:s14], $0x2000  }
0x69: {  	p1 =	sne.s32 @!p0 s5, $0x1A000;
	[sflag:s14] =	ssyncset.done @!p0 $0x0  }
0x6a: {  	s29 =	simm.s32 @!p0 $0xF400;
	[sflag:s14] =	ssyncadd.s32 @!p0 $0xFFFFE000;
	s14 =	sadd.s32 @!p0 $0xFFFFFF80, s4  }
0x6b: {  	[tilespmem:s29], [sflag:$0x7] =	stream.indirect.gather @!p0 [hbm4b:s3+s15], $0x40, s14, s15, $0xb8;
	[tilespmem:$0x13400] =	vst v63  }
0x6c: {  	p1 =	por p0, !p1;
	s14 =	simm.s32 @!p0 $0x10  }
.Ltmp0:
0x6d: {  	_ =	swait.ge @!p0 [sflag:s14], $0x2000;
	(pc) =	sbr.rel @!p1 .LBB2_2-.Ltmp0, $4  }
0x6e: {  	[sflag:s14] =	ssyncset.done @!p0 $0x0  }
0x6f: {  	[sflag:s14] =	ssyncadd.s32 @!p0 $0xFFFFE000;
	s14 =	simm.s32 @!p0 $0x11400  }
0x70: {  	[tilespmem:s14], [sflag:$0x8] =	stream.indirect.gather @!p0 [hbm4b:s3+s15], $0x40, s4, s15, $0xb8;
	[tilespmem:$0x13400] =	vst v63  }
0x71: {  	s4 =	sadd.s32 @!p0 $0x400, s4  }
0x72: {  	s4 =	simm.s32 $0x9  }
0x73: {  	_ =	swait.ge [sflag:s4], $0x2000  }
0x74: {  	[sflag:s4] =	ssyncset.done $0x0  }
0x75: {  	s14 =	simm.s32 $0xA;
	[sflag:s4] =	ssyncadd.s32 $0xFFFFE000  }
0x76: {  	_ =	swait.ge [sflag:s14], $0x2000  }
0x77: {  	[sflag:s14] =	ssyncset.done $0x0  }
0x78: {  	s15 =	simm.s32 $0xB;
	[sflag:s14] =	ssyncadd.s32 $0xFFFFE000  }
0x79: {  	_ =	swait.ge [sflag:s15], $0x2000  }
0x7a: {  	[sflag:s15] =	ssyncset.done $0x0  }
0x7b: {  	s29 =	simm.s32 $0xC;
	[sflag:s15] =	ssyncadd.s32 $0xFFFFE000  }
0x7c: {  	_ =	swait.ge [sflag:s29], $0x2000  }
0x7d: {  	[sflag:s29] =	ssyncset.done $0x0  }
0x7e: {  	s5 =	simm.s32 $0xD;
	[sflag:s29] =	ssyncadd.s32 $0xFFFFE000  }
0x7f: {  	_ =	swait.ge [sflag:s5], $0x2000  }
0x80: {  	[sflag:s5] =	ssyncset.done $0x0  }
0x81: {  	s14 =	simm.s32 $0xE;
	[sflag:s5] =	ssyncadd.s32 $0xFFFFE000  }
0x82: {  	_ =	swait.ge [sflag:s14], $0x2000  }
0x83: {  	[sflag:s14] =	ssyncset.done $0x0  }
0x84: {  	s15 =	simm.s32 $0xF;
	[sflag:s14] =	ssyncadd.s32 $0xFFFFE000  }
0x85: {  	_ =	swait.ge [sflag:s15], $0x2000  }
0x86: {  	[sflag:s15] =	ssyncset.done $0x0  }
0x87: {  	s5 =	simm.s32 $0x10;
	[sflag:s15] =	ssyncadd.s32 $0xFFFFE000  }
0x88: {  	_ =	swait.ge [sflag:s5], $0x2000  }
0x89: {  	s14 =	rddreg [dreg:$0x5]  }
0x8a: {  	s29 =	rddreg [dreg:$0x4];
	s14 =	sadd.s32 $0x1, s14  }
0x8b: {  	p0 =	sne.s32 s14, s29  }
.Ltmp1:
0x8c: {  	_ = 	snop;
	(pc) =	sbr.rel @p0 .LBB2_1-.Ltmp1, $3  }
0x8d: {  	_ =	sdelay $0x1  }
0x8e: {  	[sflag:s5] =	ssyncset.done $0x0  }
0x8f: {  	[sflag:s5] =	ssyncadd.s32 $0xFFFFE000  }
0x90: {  	_ =	sfence.sel $0x180000  }
0x91: {  	[bflag:$0x0] =	sbarrier.arrive $0xFFFF  }
0x92: {  	_ =	strace $0x90000047  }
0x93: {  	s0 =	stileid.u32;
	[bflag:$0x2] =	sbarrier.arrive $0xFFFF  }
0x94: {  	p0 =	sne.s32 s0, $0x0;
	s0 =	rddreg [dreg:$0x2]  }
0x95: {  	s0 =	sadd.s32 @!p0 $0x100000, s0  }
0x96: {  	[sflag:s0] =	ssyncadd.tile.s32 @!p0 $0x1;
	_ =	shalt  }
.Lfunc_end2:
_tile_overlayer_lowered:
.L_overlay_start_2:
0x97: {  	(tag) =	ssettag $0x2  }
0x98: {  	s0 =	rddreg [dreg:$0x0];
	s2 =	stileid.u32  }
0x99: {  	s1 =	rddreg [dreg:$0x1];
	p0 =	sne.s32 s2, $0x0  }
0x9a: {  	s3 =	rddreg [dreg:$0x2];
	[bflag:$0x3] =	sbarrier.arrive $0xFFFF;
	s2 =	simm.s32 @!p0 $0x1C11  }
0x9b: {  	[timem:s3], [sflag:s2] =	dma.local @!p0 [hbm:s0], s1  }
0x9c: {  	s0 =	simm.s32 @!p0 $0x11  }
0x9d: {  	_ =	swait.ge @!p0 [sflag:s0], s1  }
0x9e: {  	s1 =	ssub.s32 @!p0 $0x0, s1;
	[sflag:s0] =	ssyncset.done @!p0 $0x0  }
0x9f: {  	[sflag:s0] =	ssyncadd.s32 @!p0 s1  }
0xa0: {  	[bflag:$0x3] =	sbarrier.arrive $0xFFFF  }
0xa1: {  	_ =	shalt  }

// kernel: sparse-core-data-format-call.cloned.1.call-start
scs
called_computation_lowered:
.L_overlay_start_0:
0x0: {  	s2 =	sld [smem:$0x3FD9]  }
0x1: {  	s3 =	sld [smem:$0x3FFE];
	_ =	sdelay $0x1  }
0x2: {  	s1 =	srdreg.scid  }
0x3: {  	s0 =	sand.u32 $0x1, s1  }
0x4: {  	s18 =	sshll.u32 s0, $0xA;
	s2 =	sadd.s32 s3, s2  }
0x5: {  	s2 =	sadd.s32 s2, s18  }
0x6: {  	[smem:$0x3FC6] =	sst s2  }
0x7: {  	_ = 	snop  }
0x8: {  	s2 =	sld [smem:$0x3FD0];
	(tm) =	ssettm $0x1  }
0x9: {  	s19 =	sld [smem:$0x3FFB];
	_ =	sdelay $0x3  }
0xa: {  	_ =	strace s19  }
0xb: {  	s3 =	sld [smem:$0x3FFC];
	_ =	sdelay $0x3  }
0xc: {  	_ =	strace s3  }
0xd: {  	s3 =	sld [smem:$0x3FFD];
	_ =	sdelay $0x3  }
0xe: {  	_ =	strace s3  }
0xf: {  	_ =	strace $0x8FFFFFFF  }
0x10: {  	s20 =	sld [smem:$0x3FDB];
	_ =	sdelay $0x1  }
0x11: {  	s4 =	simm.s32 $_scs_section_size  }
0x12: {  	s5 =	simm.s32 $_size__tile_overlayer_lowered;
	s6 =	simm.s32 $_tile_overlayer_lowered  }
0x13: {  	s23 =	simm.s32 $0x1BFF;
	s22 =	sshll.u32 s6, $0x1;
	s3 =	sadd.s32 s4, s20  }
0x14: {  	s7 =	simm.s32 $0x0;
	s21 =	sshll.u32 s5, $0x1;
	s5 =	sadd.s32 s22, s3  }
0x15: {  	[timem:s7], [sflag:s23] =	dma.local [hbm:s5], s21  }
0x16: {  	_ =	swait.ge [sflag:s23], s21  }
0x17: {  	s4 =	ssub.s32 $0x0, s21;
	[sflag:s23] =	ssyncset.done $0x0  }
0x18: {  	[sflag:s23] =	ssyncadd.s32 s4;
	_ =	sdelay $0x1  }
0x19: {  	s24 =	simm.s32 $0x1B8B  }
0x1a: {  	_ =	swait.ge [sflag:s24], $0x1  }
0x1b: {  	[sflag:s24] =	ssyncset.done $0x0  }
0x1c: {  	s26 =	simm.s32 $0x1B8E;
	s25 =	sld [smem:$0x3FFE];
	[sflag:s24] =	ssyncadd.s32 $0xFFFFFFFF  }
0x1d: {  	s27 =	simm.s32 $execute0_lowered;
	[smem:$0x3FD2] =	sst s26  }
0x1e: {  	s5 =	sshll.u32 s27, $0x1;
	_ =	strace $0x80000049;
	[dreg:$0x1] =	wrdreg $0xFFFFFFFF  }
0x1f: {  	s28 =	simm.s32 $_size_execute0_lowered;
	s3 =	sadd.s32 s3, s5;
	[dreg:$0x0] =	wrdreg $0x0  }
0x20: {  	s5 =	sshll.u32 s28, $0x1;
	[dreg:$0x2] =	wrdreg s3  }
0x21: {  	[dreg:$0x3] =	wrdreg s5  }
0x22: {  	[dreg:$0x4] =	wrdreg $0xC0  }
0x23: {  	_ =	task [dreg:s7], $0x5FFFF  }
0x24: {  	[dreg:$0x1] =	wrdreg $0xFFFFFFFF  }
0x25: {  	[dreg:$0x0] =	wrdreg $0x60  }
0x26: {  	[dreg:$0x2] =	wrdreg s25  }
0x27: {  	[dreg:$0x3] =	wrdreg s2  }
0x28: {  	[dreg:$0x4] =	wrdreg $0x9  }
0x29: {  	_ =	task.clear_ibuf [dreg:s7], $0x5FFFF;
	_ =	strace $0x90000049  }
0x2a: {  	s29 =	simm.s32 $0x9;
	_ =	strace $0x8000004B  }
0x2b: {  	_ =	swait.ge [sflag:s29], $0x1  }
0x2c: {  	[sflag:s29] =	ssyncadd.s32 $0xFFFFFFFF  }
0x2d: {  	_ =	strace $0x9000004B  }
0x2e: {  	_ =	sfence  }
0x2f: {  	s30 =	sld [smem:$0x0];
	_ =	sdelay $0x2  }
0x30: {  	s31 =	sshll.u32 s1, $0xD;
	s1 =	sshrl.u32 s1, $0x2  }
0x31: {  	s3 =	sand.u32 $0x4000, s31;
	s1 =	sadd.s32 s1, s30  }
0x32: {  	s0 =	sor.u32 s3, s0;
	s1 =	sshll.u32 s1, $0x11  }
0x33: {  	s0 =	sor.u32 s1, s0  }
0x34: {  	s0 =	sadd.s32 $0x8F2B, s0  }
0x35: {  	[sflag:s0] =	ssyncadd.remote.s32 $0x1  }
0x36: {  	_ =	sfence.sel $0xFFFF  }
0x37: {  	[dreg:$0x0] =	wrdreg $0xFFFFFFFF;
	(pc) =	sbr.abs _section_cstart, $3  }
0x38: {  	[dreg:$0x1] =	wrdreg $0xFFFFFFFF  }
0x39: {  	_ =	task.clear_ibuf [dreg:s7], $0x2FFFF;
	_ =	strace $0x9FFFFFFF  }
0x3a: {  	(tm) =	ssettm $0x7FFFFFFF  }
0x3b: {  	_ =	shalt  }
tec
execute0_lowered:
.L_overlay_start_1:
0x0: {  	(tag) =	ssettag $0x1  }
0x1: {  	s0 =	srdreg.scid  }
0x2: {  	s1 =	sshll.u32 s0, $0x4  }
0x3: {  	s0 =	stileid.u32;
	s1 =	sand.u32 $0x10, s1  }
0x4: {  	s1 =	sor.u32 s0, s1  }
0x5: {  	s6 =	rddreg [dreg:$0x0];
	s4 =	simm.s32 $0x1;
	s2 =	sshll.u32 s1, $0x7  }
0x6: {  	s7 =	simm.s32 $0x2;
	s12 =	simm.s32 $0x0;
	s1 =	ssub.s32 $0x4000, s2  }
0x7: {  	s8 =	simm.s32 $0x20000;
	s13 =	simm.s32 $0x0;
	s3 =	sand.u32 $0xF80, s1  }
0x8: {  	s9 =	simm.s32 $0x0;
	s5 =	sshrl.u32 s1, $0xC;
	p0 =	sne.s32 s3, $0x0  }
.Ltmp0:
0x9: {  	s1 =	rddreg [dreg:$0x2];
	s4 =	simm.s32 @!p0 $0x0;
	(pc) =	sbr.rel .LBB1_1-.Ltmp0, $4  }
0xa: {  	s11 =	simm.s32 $0x0;
	s3 =	rddreg [dreg:$0x1];
	s5 =	sadd.s32 s4, s5  }
0xb: {  	_ =	strace $0x8000004A;
	s4 =	simm.s32 $0x1;
	s5 =	smul.u32 $0x1A, s5  }
0xc: {  	s6 =	sadd.s32 $0xA00, s6;
	s10 =	smov.u32 s2;
	[sflag:s4] =	ssyncpa.u1 $0x0  }
0xd: {  	p0 =	por $0x0, $0x0;
	[sflag:s7] =	ssyncpa.u1 $0x0;
	s7 =	sor.u32 $0x1, s5  }
.LBB1_4:
0xe: {  	s16 =	sshll.u32 s13, $0x3;
	s17 =	sand.u32 $0x78, s13  }
0xf: {  	s30 =	sand.u32 $0x1F800, s13;
	s12 =	sshll.u32 s12, $0x11;
	s16 =	sand.u32 $0x3C00, s16  }
0x10: {  	[tilespmem:s15+$0x810 ss:$0x81] =	vst.msk $0xffff, v2;
	s31 =	sand.u32 $0x7, s13;
	s16 =	sor.u32 s17, s16;
	s17 =	sadd.s32 s3, s30  }
0x11: {  	[tilespmem:s15+$0x1020 ss:$0x81] =	vst.msk $0xffff, v0;
	s13 =	sshll.u32 s31, $0x12;
	s12 =	sadd.s32 s12, s17;
	s16 =	sshrl.u32 s16, $0x3  }
0x12: {  	[tilespmem:s15+$0x0 ss:$0x81] =	vst.msk $0xffff, v1;
	s13 =	sor.u32 $0x400, s13;
	s12 =	sadd.s32 s16, s12  }
0x13: {  	[hbm4b:s12+s13] =	stream.strided.scatter [tilespmem:s14], [sflag:$0x2], $0x2000, s8, s13, $0x20;
	[tilespmem:$0x8080] =	vst v63  }
.LBB1_5:
0x14: {  	s14 =	sadd.s32 $0x1, s9  }
0x15: {  	s12 =	sadd.s32 $0x1000, s10;
	s16 =	smov.u32 s10;
	p2 =	sgt.s32 s14, $0x19  }
0x16: {  	s16 =	smov.u32 @p2 s12  }
0x17: {  	s14 =	simm.s32 @p2 $0x0;
	p2 =	sgt.s32 s16, $0x3FFF  }
0x18: {  	s16 =	smov.u32 @p2 s2;
	p2 =	sne.s32 s11, s7  }
.Ltmp1:
0x19: {  	p1 =	slt.u32 s11, $0x2;
	(pc) =	sbr.rel @!p2 .LBB1_6-.Ltmp1, $4  }
0x1a: {  	s15 =	simm.s32 @!p1 $0x2  }
0x1b: {  	s13 =	smov.u32 s10;
	p0 =	por !p0, !p0;
	_ =	swait.ge @!p1 [sflag:s15], $0x2000  }
0x1c: {  	s12 =	smov.u32 s9;
	[sflag:s15] =	ssyncset.done @!p1 $0x0;
	s9 =	smov.u32 s14  }
0x1d: {  	s11 =	sadd.s32 $0x1, s11;
	[sflag:s15] =	ssyncadd.s32 @!p1 $0xFFFFE000;
	s10 =	smov.u32 s16  }
.LBB1_1:
0x1e: {  	p1 =	sge.u32 s11, s5  }
0x1f: {  	s31 =	sadd.s32 $0xFFFFFFFF, s11;
	s14 =	sxor.u32 @!p1 $0xFFFFFFFF, s11  }
0x20: {  	s15 =	sshll.u32 @!p1 s10, $0x9;
	s16 =	sshll.u32 @!p1 s9, $0x4;
	s17 =	simm.s32 @!p1 $0x1000  }
0x21: {  	s14 =	sshll.u32 @!p1 s14, $0xD;
	s16 =	sand.u32 @!p1 $0x1F0, s16;
	s15 =	sadd.s32 @!p1 s6, s15  }
0x22: {  	s14 =	sand.u32 @!p1 $0x2000, s14;
	s15 =	sadd.s32 @!p1 s16, s15;
	s16 =	simm.s32 @!p1 $0x40  }
0x23: {  	[tilespmem:s14], [sflag:$0x1] =	stream.strided.gather @!p1 [hbm4b:s15+s16], $0x2000, s17, s16, $0x38;
	[tilespmem:$0x8080] =	vst v63  }
0x24: {  	p1 =	sge.u32 s31, s5  }
.Ltmp2:
0x25: {  	_ = 	snop;
	(pc) =	sbr.rel @p1 .LBB1_5-.Ltmp2, $1  }
0x26: {  	_ =	sdelay $0x3  }
0x27: {  	s14 =	simm.s32 $0x1  }
0x28: {  	_ =	swait.ge [sflag:s4], $0x2000;
	s14 =	simm.s32 @!p0 $0x0  }
0x29: {  	[sflag:s4] =	ssyncset.done $0x0;
	s15 =	sshll.u32 s14, $0xD  }
0x2a: {  	[sflag:s4] =	ssyncadd.s32 $0xFFFFE000;
	s18 =	sor.u32 $0x20, s15  }
0x2b: {  	s14 =	smul.u32 $0x8100, s14;
	v3 =	vld [tilespmem:s18+$0x10]  }
0x2c: {  	s30 =	sand.u32 $0x1, s11;
	v2 =	vld [tilespmem:s18+$0xFFFFFFF0]  }
0x2d: {  	s15 =	smul.u32 $0x8100, s30;
	s14 =	sshrl.u32 s14, $0x2;
	v0 =	vld [tilespmem:s18+$0x0]  }
0x2e: {  	v1 =	vld [tilespmem:s18+$0xFFFFFFE0];
	s16 =	sor.u32 $0x4000, s14  }
0x2f: {  	s31 =	sshrl.u32 s15, $0x2;
	s15 =	sadd.s32 $0x0, s16  }
0x30: {  	s17 =	simm.s32 $0x4;
	s18 =	sadd.s32 $0x40, s18;
	s14 =	sor.u32 $0x4000, s31;
	[tilespmem:s15+$0x1830 ss:$0x81] =	vst.msk $0xffff, v3  }
.LBB1_3:
0x31: {  	v3 =	vld [tilespmem:s18+$0x10];
	p1 =	sne.s32 s17, $0x1FC;
	[tilespmem:s15+$0x810 ss:$0x81] =	vst.msk $0xffff, v2;
	s19 =	smov.u32 s17;
	s17 =	sadd.s32 $0x4, s17  }
.Ltmp3:
0x32: {  	v2 =	vld [tilespmem:s18+$0xFFFFFFF0];
	[tilespmem:s15+$0x1020 ss:$0x81] =	vst.msk $0xffff, v0;
	(pc) =	sbr.rel @p1 .LBB1_3-.Ltmp3, $4  }
0x33: {  	v0 =	vld [tilespmem:s18+$0x0];
	[tilespmem:s15+$0x0 ss:$0x81] =	vst.msk $0xffff, v1  }
0x34: {  	s15 =	sshra.s32 s19, $0x2;
	v1 =	vld [tilespmem:s18+$0xFFFFFFE0]  }
0x35: {  	s15 =	sadd.s32 s15, s16  }
0x36: {  	s18 =	sadd.s32 $0x40, s18;
	[tilespmem:s15+$0x1830 ss:$0x81] =	vst.msk $0xffff, v3  }
.Ltmp4:
0x37: {  	_ = 	snop;
	(pc) =	sbr.rel .LBB1_4-.Ltmp4, $1  }
0x38: {  	_ =	sdelay $0x3  }
.LBB1_6:
0x39: {  	_ =	sfence.sel $0x180000  }
0x3a: {  	s2 =	simm.s32 $0x1;
	[bflag:$0x0] =	sbarrier.arrive $0xFFFF  }
0x3b: {  	s31 =	simm.s32 $0x2;
	[sflag:s2] =	ssyncpa.u1 $0x1  }
0x3c: {  	[sflag:s31] =	ssyncpa.u1 $0x1  }
0x3d: {  	p0 =	sne.s32 s0, $0x0;
	_ =	strace $0x9000004A  }
0x3e: {  	s0 =	sadd.s32 @!p0 $0x100000, s1;
	[bflag:$0x2] =	sbarrier.arrive $0xFFFF  }
0x3f: {  	[sflag:s0] =	ssyncadd.tile.s32 @!p0 $0x1;
	_ =	shalt  }
.Lfunc_end1:
_tile_overlayer_lowered:
.L_overlay_start_2:
0x40: {  	(tag) =	ssettag $0x2  }
0x41: {  	s0 =	rddreg [dreg:$0x0];
	s2 =	stileid.u32  }
0x42: {  	s1 =	rddreg [dreg:$0x1];
	p0 =	sne.s32 s2, $0x0  }
0x43: {  	s3 =	rddreg [dreg:$0x2];
	[bflag:$0x3] =	sbarrier.arrive $0xFFFF;
	s2 =	simm.s32 @!p0 $0x1C01  }
0x44: {  	[timem:s3], [sflag:s2] =	dma.local @!p0 [hbm:s0], s1  }
0x45: {  	s0 =	simm.s32 @!p0 $0x1  }
0x46: {  	_ =	swait.ge @!p0 [sflag:s0], s1  }
0x47: {  	s1 =	ssub.s32 @!p0 $0x0, s1;
	[sflag:s0] =	ssyncset.done @!p0 $0x0  }
0x48: {  	[sflag:s0] =	ssyncadd.s32 @!p0 s1  }
0x49: {  	[bflag:$0x3] =	sbarrier.arrive $0xFFFF  }
0x4a: {  	_ =	shalt  }

</sc_bundles>
